<compile_context>
chip_gen: v7x
topology: tpu7x:2x2x1
jax: 0.10.2.dev20260603
libtpu: 0.0.44.dev20260713+nightly
codegen_flags: <defaults>
</compile_context>

<pallas_src>
import functools

import jax
import jax.numpy as jnp
import numpy as np
from jax.experimental import pallas as pl
from jax.experimental.pallas import tpu as pltpu

BNEPS = 1e-5



def _fps_sample(pos, n_sample):
    def one(p):
        d0 = jnp.full((p.shape[0],), jnp.inf, dtype=p.dtype)

        def body(carry, _):
            dist, last = carry
            d = jnp.sum((p - p[last]) ** 2, axis=1)
            dist = jnp.minimum(dist, d)
            nxt = jnp.argmax(dist).astype(jnp.int32)
            return (dist, nxt), last

        _, idxs = jax.lax.scan(body, (d0, jnp.int32(0)), None, length=n_sample)
        return idxs

    return jax.vmap(one)(pos)



def _layer_body(b_ref, w_ref, x_ref, h_ref):
    acc = b_ref[0:1, :] + jnp.dot(x_ref[...], w_ref[...],
                                  preferred_element_type=jnp.float32)
    h_ref[...] = jnp.maximum(acc, 0.0)


def _layer_call(x, wt, b, rb=4096):
    rows, cin = x.shape
    rb = min(rb, rows)
    cout = wt.shape[1]
    grid = rows // rb
    h = pl.pallas_call(
        _layer_body,
        grid=(grid,),
        in_specs=[
            pl.BlockSpec(b.shape, lambda i: (0, 0)),
            pl.BlockSpec(wt.shape, lambda i: (0, 0)),
            pl.BlockSpec((rb, cin), lambda i: (i, 0)),
        ],
        out_specs=pl.BlockSpec((rb, cout), lambda i: (i, 0)),
        out_shape=jax.ShapeDtypeStruct((rows, cout), jnp.float32),
    )(b, wt, x)
    return h



def _finalize_body(h_ref, v_ref, o_ref, *, k):
    h = h_ref[...]
    hm = jnp.where(v_ref[...] > 0.0, h, -jnp.inf)
    rb, c = h.shape
    r = hm.reshape(rb // k, k, c)
    mx = jnp.max(r, axis=1)
    o_ref[...] = jnp.where(mx > -jnp.inf, mx, 0.0)


def _finalize_call(h, valid, k=64, cb=32):
    rows, c = h.shape
    rb = cb * k
    grid = rows // rb
    out = pl.pallas_call(
        functools.partial(_finalize_body, k=k),
        grid=(grid,),
        in_specs=[
            pl.BlockSpec((rb, c), lambda i: (i, 0)),
            pl.BlockSpec((rb, 1), lambda i: (i, 0)),
        ],
        out_specs=pl.BlockSpec((cb, c), lambda i: (i, 0)),
        out_shape=jax.ShapeDtypeStruct((rows // k, c), jnp.float32),
    )(h, valid)
    return out



def _head_body(h_ref, w_ref, b_ref, g_ref, be_ref, o_ref,
               *, bsz, m):
    h = h_ref[...]
    rows, c = h.shape
    hp = h.reshape(bsz, m, c)
    g = jnp.max(hp, axis=1)
    out = jnp.dot(g, w_ref[...], preferred_element_type=jnp.float32)
    out = out + b_ref[0:1, :]
    mean = jnp.mean(out, axis=0, keepdims=True)
    var = jnp.mean((out - mean) ** 2, axis=0, keepdims=True)
    out = (out - mean) / jnp.sqrt(var + BNEPS) * g_ref[0:1, :] + be_ref[0:1, :]
    o_ref[...] = jnp.maximum(out, 0.0)


def _head_call(h3, wt, b, g, be, bsz, m):
    emb = wt.shape[1]
    return pl.pallas_call(
        functools.partial(_head_body, bsz=bsz, m=m),
        out_shape=jax.ShapeDtypeStruct((bsz, emb), jnp.float32),
    )(h3, wt, b, g, be)



def _row8(v):
    return jnp.zeros((8, v.shape[0]), jnp.float32).at[0].set(v)


def _radius_nbrs(pos, centers, r, k):
    d2 = jnp.sum((centers[:, :, None, :] - pos[:, None, :, :]) ** 2, axis=-1)
    within = d2 <= r * r
    n = pos.shape[1]
    score = jnp.where(within, -jnp.arange(n, dtype=jnp.float32)[None, None, :],
                      -jnp.inf)
    vals, idx = jax.lax.top_k(score, k)
    valid = jnp.isfinite(vals)
    idx = jnp.where(valid, idx, 0)
    return idx, valid


def _mlp_chain(x, params, mask=None):
    for (w_, b_, g_, be_) in params:
        x = _layer_call(x, w_.T, _row8(b_))
        if mask is None:
            mean = jnp.mean(x, axis=0)
            var = jnp.mean((x - mean) ** 2, axis=0)
        else:
            w = mask.astype(x.dtype)[:, None]
            nv = jnp.maximum(jnp.sum(w), 1.0)
            mean = jnp.sum(x * w, axis=0) / nv
            var = jnp.sum(w * (x - mean) ** 2, axis=0) / nv
        x = (x - mean) / jnp.sqrt(var + BNEPS) * g_ + be_
    return x



def kernel(data, sa1_params, sa2_params, sa3_params, lin1_W, lin1_b,
           bn1_g, bn1_b):
    bsz = data.shape[0]
    n = data.shape[2]
    px, py, pz = data[:, 0, :], data[:, 1, :], data[:, 2, :]
    pos = jnp.stack([px, py, pz], axis=-1)

    m1 = n // 2
    idx1 = _fps_sample(pos, m1)
    gather = jax.vmap(lambda a, i: a[i])
    centers1 = gather(pos, idx1)
    cx1, cy1, cz1 = (centers1[..., 0], centers1[..., 1], centers1[..., 2])
    nbr1, valid1 = _radius_nbrs(pos, centers1, 0.2, 64)
    pos_j = gather(pos, nbr1)
    rel1 = (pos_j - centers1[:, :, None, :]).reshape(bsz * m1 * 64, 3)
    v1 = valid1.astype(jnp.float32).reshape(bsz * m1 * 64, 1)
    xn1 = _mlp_chain(rel1, sa1_params, mask=valid1.reshape(-1))
    x1 = _finalize_call(xn1, v1).reshape(bsz, m1, -1)

    m2 = m1 // 4
    idx2 = _fps_sample(centers1, m2)
    centers2 = gather(centers1, idx2)
    nbr2, valid2 = _radius_nbrs(centers1, centers2, 0.4, 64)
    pos_j2 = gather(centers1, nbr2)
    rel2 = (pos_j2 - centers2[:, :, None, :]).reshape(bsz * m2 * 64, 3)
    x_j2 = gather(x1, nbr2).reshape(bsz * m2 * 64, -1)
    v2 = valid2.astype(jnp.float32).reshape(bsz * m2 * 64, 1)
    msg2 = jnp.concatenate([x_j2, rel2], axis=1)
    xn2 = _mlp_chain(msg2, sa2_params, mask=valid2.reshape(-1))
    x2 = _finalize_call(xn2, v2).reshape(bsz, m2, -1)

    pos2 = centers2.reshape(bsz * m2, 3)
    x2f = x2.reshape(bsz * m2, -1)
    msg3 = jnp.concatenate([x2f, pos2], axis=1)
    xn3 = _mlp_chain(msg3, sa3_params, mask=None)

    out = _head_call(xn3, lin1_W.T, _row8(lin1_b), _row8(bn1_g),
                     _row8(bn1_b), bsz, m2)
    return out

# --- scband reference (transcript-rebuilt; emitter-appended) ---
"""Pipeline reference for scband-point-net2-46282567582125 (READ-ONLY COPY).

The authoritative reference and input builder live on the scoring server;
editing this copy changes nothing except your own understanding.
"""

import jax, jax.numpy as jnp
import numpy as np

BN_EPS = 1e-5
B, N, EMBED = 16, 2048, 1024


def _mk_mlp(key, channels):
    params = []
    for i in range(1, len(channels)):
        key, k1 = jax.random.split(key)
        fan = channels[i - 1]
        W = jax.random.normal(k1, (channels[i], fan), jnp.float32) / np.sqrt(fan)
        b = jnp.zeros((channels[i],), jnp.float32)
        g = jnp.ones((channels[i],), jnp.float32)
        be = jnp.zeros((channels[i],), jnp.float32)
        params.append((W, b, g, be))
    return params


def setup_inputs(seed: int = 0):
    key = jax.random.key(seed)
    ks = jax.random.split(key, 8)
    data = jax.random.uniform(ks[0], (B, 3, N), jnp.float32)
    sa1_params = _mk_mlp(ks[1], [3, 64, 64, 128])
    sa2_params = _mk_mlp(ks[2], [128 + 3, 128, 128, 256])
    sa3_params = _mk_mlp(ks[3], [256 + 3, 256, 512, 1024])
    lin1_W = jax.random.normal(ks[4], (EMBED, 1024), jnp.float32) / np.sqrt(1024.0)
    lin1_b = jnp.zeros((EMBED,), jnp.float32)
    bn1_g = jnp.ones((EMBED,), jnp.float32)
    bn1_b = jnp.zeros((EMBED,), jnp.float32)
    return {"data": data, "sa1_params": sa1_params, "sa2_params": sa2_params,
            "sa3_params": sa3_params, "lin1_W": lin1_W, "lin1_b": lin1_b,
            "bn1_g": bn1_g, "bn1_b": bn1_b}


def _mlp(params, x, mask=None):
    # Seq(Linear, ReLU, BatchNorm1d) per layer, BN in training mode (batch stats).
    for (W, b, g, be) in params:
        x = x @ W.T + b
        x = jax.nn.relu(x)
        if mask is None:
            mean = jnp.mean(x, axis=0)
            var = jnp.mean((x - mean) ** 2, axis=0)
        else:
            w = mask.astype(x.dtype)[:, None]
            n = jnp.maximum(jnp.sum(w), 1.0)
            mean = jnp.sum(x * w, axis=0) / n
            var = jnp.sum(w * (x - mean) ** 2, axis=0) / n
        x = (x - mean) / jnp.sqrt(var + BN_EPS) * g + be
    return x


def _fps(pos, n_sample):
    # farthest point sampling per cloud (deterministic start at index 0)
    def one(p):
        d0 = jnp.full((p.shape[0],), jnp.inf, dtype=p.dtype)
        def body(carry, _):
            dist, last = carry
            d = jnp.sum((p - p[last]) ** 2, axis=1)
            dist = jnp.minimum(dist, d)
            nxt = jnp.argmax(dist).astype(jnp.int32)
            return (dist, nxt), last
        _, idxs = jax.lax.scan(body, (d0, jnp.int32(0)), None, length=n_sample)
        return idxs
    return jax.vmap(one)(pos)


def _radius_neighbors(pos, centers, r, k):
    # up to k neighbors of each center within radius r (lowest-index-first, as torch-cluster)
    d2 = jnp.sum((centers[:, :, None, :] - pos[:, None, :, :]) ** 2, axis=-1)
    within = d2 <= r * r
    n = pos.shape[1]
    score = jnp.where(within, -jnp.arange(n, dtype=jnp.float32)[None, None, :], -jnp.inf)
    vals, idx = jax.lax.top_k(score, k)
    valid = jnp.isfinite(vals)
    idx = jnp.where(valid, idx, 0)
    return idx, valid


def _sa_module(x, pos, ratio, r, params):
    b, n, _ = pos.shape
    m = int(n * ratio)
    idx = _fps(pos, m)
    gather = jax.vmap(lambda a, i: a[i])
    centers = gather(pos, idx)                 # [b, m, 3]
    nbr, valid = _radius_neighbors(pos, centers, r, 64)  # [b, m, 64]
    pos_j = gather(pos, nbr)                   # [b, m, 64, 3]
    rel = pos_j - centers[:, :, None, :]
    if x is None:
        msg = rel
    else:
        x_j = gather(x, nbr)                   # [b, m, 64, C]
        msg = jnp.concatenate([x_j, rel], axis=-1)
    flat = msg.reshape(b * m * 64, msg.shape[-1])
    h = _mlp(params, flat, mask=valid.reshape(-1))
    h = h.reshape(b, m, 64, -1)
    h = jnp.where(valid[..., None], h, -jnp.inf)
    out = jnp.max(h, axis=2)
    out = jnp.where(out > -jnp.inf, out, 0.0)  # empty neighborhoods -> 0 (PyG max aggr)
    return out, centers


def reference(data, sa1_params, sa2_params, sa3_params, lin1_W, lin1_b, bn1_g, bn1_b):
    pos = jnp.transpose(data, (0, 2, 1))       # [B, N, 3]
    x1, pos1 = _sa_module(None, pos, 0.5, 0.2, sa1_params)
    x2, pos2 = _sa_module(x1, pos1, 0.25, 0.4, sa2_params)
    bb, mm, cc = x2.shape
    inp = jnp.concatenate([x2, pos2], axis=-1).reshape(bb * mm, cc + 3)
    g = _mlp(sa3_params, inp).reshape(bb, mm, -1)
    g = jnp.max(g, axis=1)                     # global_max_pool (equal-size batches)
    h = g @ lin1_W.T + lin1_b
    mean = jnp.mean(h, axis=0)
    var = jnp.mean((h - mean) ** 2, axis=0)
    h = (h - mean) / jnp.sqrt(var + BN_EPS) * bn1_g + bn1_b
    return jax.nn.relu(h)


if False:  # reference __main__ guard neutralized (emitter)
    out = reference(**setup_inputs())
    print(out.shape)

if __name__ == "__main__":
    import jax
    _d = setup_inputs()
    print(jax.jit(kernel)(*tuple(_d.values())))

</pallas_src>

<mosaic_0001>
module attributes {stable_mosaic.version = 14 : i64} {
  func.func @_layer_body(%arg0: i32, %arg1: memref<8x64xf32, #tpu.memory_space<vmem>>, %arg2: memref<3x64xf32, #tpu.memory_space<vmem>>, %arg3: memref<4096x3xf32, #tpu.memory_space<vmem>>, %arg4: memref<4096x64xf32, #tpu.memory_space<vmem>>) attributes {dimension_semantics = [#tpu.dimension_semantics<arbitrary>], iteration_bounds = array<i64: 256>, scalar_prefetch = 0 : i64, scratch_operands = 0 : i64, tpu.core_type = #tpu.core_type<tc>, window_params = [{pipeline_mode = #tpu.pipeline_mode<synchronous>, transform_indices = @transform_0, window_bounds = array<i64: 8, 64>}, {pipeline_mode = #tpu.pipeline_mode<synchronous>, transform_indices = @transform_1, window_bounds = array<i64: 3, 64>}, {transform_indices = @transform_2, window_bounds = array<i64: 4096, 3>}, {transform_indices = @transform_3, window_bounds = array<i64: 4096, 64>}]} {
    %get3A = arith.constant 0 : index
    %get3A_0 = arith.constant 0 : index
    %get3A_1 = vector.load %arg1[%get3A, %get3A_0] : memref<8x64xf32, #tpu.memory_space<vmem>>, vector<1x64xf32>
    %get3A_2 = arith.constant 0 : index
    %get3A_3 = arith.constant 0 : index
    %get3A_4 = vector.load %arg3[%get3A_2, %get3A_3] : memref<4096x3xf32, #tpu.memory_space<vmem>>, vector<4096x3xf32>
    %get3A_5 = arith.constant 0 : index
    %get3A_6 = arith.constant 0 : index
    %get3A_7 = vector.load %arg2[%get3A_5, %get3A_6] : memref<3x64xf32, #tpu.memory_space<vmem>>, vector<3x64xf32>
    %dot_general3A = arith.constant dense<0.000000e+00> : vector<4096x64xf32>
    %dot_general3A_8 = tpu.matmul %get3A_4, %get3A_7, %dot_general3A {dimension_numbers = #tpu.dot_dimension_numbers<[1], [0], [0], [1], [0, 0, 1, 1], [], []>, transpose_lhs_hint = false} : vector<4096x3xf32>, vector<3x64xf32>, vector<4096x64xf32> -> vector<4096x64xf32>
    %add3A = vector.broadcast %get3A_1 : vector<1x64xf32> to vector<4096x64xf32>
    %add3A_9 = arith.addf %add3A, %dot_general3A_8 : vector<4096x64xf32>
    %max3A = arith.constant 0.000000e+00 : f32
    %max3A_10 = vector.broadcast %max3A : f32 to vector<4096x64xf32>
    %max3A_11 = arith.maximumf %add3A_9, %max3A_10 : vector<4096x64xf32>
    %swap3A = arith.constant 0 : index
    %swap3A_12 = arith.constant 0 : index
    %swap3A_13 = vector.load %arg4[%swap3A, %swap3A_12] : memref<4096x64xf32, #tpu.memory_space<vmem>>, vector<4096x64xf32>
    tpu.vector_store %arg4[%swap3A, %swap3A_12], %max3A_11 {strides = array<i32>} : memref<4096x64xf32, #tpu.memory_space<vmem>>, vector<4096x64xf32>,
    return
  }
  func.func @transform_0(%arg0: i32) -> (i32, i32) {
    %c0_i32 = arith.constant 0 : i32
    %c0_i32_0 = arith.constant 0 : i32
    %c0_i32_1 = arith.constant 0 : i32
    return %c0_i32, %c0_i32_0 : i32, i32
  }
  func.func @transform_1(%arg0: i32) -> (i32, i32) {
    %c0_i32 = arith.constant 0 : i32
    %c0_i32_0 = arith.constant 0 : i32
    %c0_i32_1 = arith.constant 0 : i32
    return %c0_i32, %c0_i32_0 : i32, i32
  }
  func.func @transform_2(%arg0: i32) -> (i32, i32) {
    %c0_i32 = arith.constant 0 : i32
    %c0_i32_0 = arith.constant 0 : i32
    return %arg0, %c0_i32 : i32, i32
  }
  func.func @transform_3(%arg0: i32) -> (i32, i32) {
    %c0_i32 = arith.constant 0 : i32
    %c0_i32_0 = arith.constant 0 : i32
    return %arg0, %c0_i32 : i32, i32
  }
}

module attributes {stable_mosaic.version = 14 : i64} {
  func.func @_layer_body(%arg0: i32, %arg1: memref<8x64xf32, #tpu.memory_space<vmem>>, %arg2: memref<64x64xf32, #tpu.memory_space<vmem>>, %arg3: memref<4096x64xf32, #tpu.memory_space<vmem>>, %arg4: memref<4096x64xf32, #tpu.memory_space<vmem>>) attributes {dimension_semantics = [#tpu.dimension_semantics<arbitrary>], iteration_bounds = array<i64: 256>, scalar_prefetch = 0 : i64, scratch_operands = 0 : i64, tpu.core_type = #tpu.core_type<tc>, window_params = [{pipeline_mode = #tpu.pipeline_mode<synchronous>, transform_indices = @transform_0, window_bounds = array<i64: 8, 64>}, {pipeline_mode = #tpu.pipeline_mode<synchronous>, transform_indices = @transform_1, window_bounds = array<i64: 64, 64>}, {transform_indices = @transform_2, window_bounds = array<i64: 4096, 64>}, {transform_indices = @transform_3, window_bounds = array<i64: 4096, 64>}]} {
    %get3A = arith.constant 0 : index
    %get3A_0 = arith.constant 0 : index
    %get3A_1 = vector.load %arg1[%get3A, %get3A_0] : memref<8x64xf32, #tpu.memory_space<vmem>>, vector<1x64xf32>
    %get3A_2 = arith.constant 0 : index
    %get3A_3 = arith.constant 0 : index
    %get3A_4 = vector.load %arg3[%get3A_2, %get3A_3] : memref<4096x64xf32, #tpu.memory_space<vmem>>, vector<4096x64xf32>
    %get3A_5 = arith.constant 0 : index
    %get3A_6 = arith.constant 0 : index
    %get3A_7 = vector.load %arg2[%get3A_5, %get3A_6] : memref<64x64xf32, #tpu.memory_space<vmem>>, vector<64x64xf32>
    %dot_general3A = arith.constant dense<0.000000e+00> : vector<4096x64xf32>
    %dot_general3A_8 = tpu.matmul %get3A_4, %get3A_7, %dot_general3A {dimension_numbers = #tpu.dot_dimension_numbers<[1], [0], [0], [1], [0, 0, 1, 1], [], []>, transpose_lhs_hint = false} : vector<4096x64xf32>, vector<64x64xf32>, vector<4096x64xf32> -> vector<4096x64xf32>
    %add3A = vector.broadcast %get3A_1 : vector<1x64xf32> to vector<4096x64xf32>
    %add3A_9 = arith.addf %add3A, %dot_general3A_8 : vector<4096x64xf32>
    %max3A = arith.constant 0.000000e+00 : f32
    %max3A_10 = vector.broadcast %max3A : f32 to vector<4096x64xf32>
    %max3A_11 = arith.maximumf %add3A_9, %max3A_10 : vector<4096x64xf32>
    %swap3A = arith.constant 0 : index
    %swap3A_12 = arith.constant 0 : index
    %swap3A_13 = vector.load %arg4[%swap3A, %swap3A_12] : memref<4096x64xf32, #tpu.memory_space<vmem>>, vector<4096x64xf32>
    tpu.vector_store %arg4[%swap3A, %swap3A_12], %max3A_11 {strides = array<i32>} : memref<4096x64xf32, #tpu.memory_space<vmem>>, vector<4096x64xf32>,
    return
  }
  func.func @transform_0(%arg0: i32) -> (i32, i32) {
    %c0_i32 = arith.constant 0 : i32
    %c0_i32_0 = arith.constant 0 : i32
    %c0_i32_1 = arith.constant 0 : i32
    return %c0_i32, %c0_i32_0 : i32, i32
  }
  func.func @transform_1(%arg0: i32) -> (i32, i32) {
    %c0_i32 = arith.constant 0 : i32
    %c0_i32_0 = arith.constant 0 : i32
    %c0_i32_1 = arith.constant 0 : i32
    return %c0_i32, %c0_i32_0 : i32, i32
  }
  func.func @transform_2(%arg0: i32) -> (i32, i32) {
    %c0_i32 = arith.constant 0 : i32
    %c0_i32_0 = arith.constant 0 : i32
    return %arg0, %c0_i32 : i32, i32
  }
  func.func @transform_3(%arg0: i32) -> (i32, i32) {
    %c0_i32 = arith.constant 0 : i32
    %c0_i32_0 = arith.constant 0 : i32
    return %arg0, %c0_i32 : i32, i32
  }
}

module attributes {stable_mosaic.version = 14 : i64} {
  func.func @_layer_body(%arg0: i32, %arg1: memref<8x128xf32, #tpu.memory_space<vmem>>, %arg2: memref<64x128xf32, #tpu.memory_space<vmem>>, %arg3: memref<4096x64xf32, #tpu.memory_space<vmem>>, %arg4: memref<4096x128xf32, #tpu.memory_space<vmem>>) attributes {dimension_semantics = [#tpu.dimension_semantics<arbitrary>], iteration_bounds = array<i64: 256>, scalar_prefetch = 0 : i64, scratch_operands = 0 : i64, tpu.core_type = #tpu.core_type<tc>, window_params = [{pipeline_mode = #tpu.pipeline_mode<synchronous>, transform_indices = @transform_0, window_bounds = array<i64: 8, 128>}, {pipeline_mode = #tpu.pipeline_mode<synchronous>, transform_indices = @transform_1, window_bounds = array<i64: 64, 128>}, {transform_indices = @transform_2, window_bounds = array<i64: 4096, 64>}, {transform_indices = @transform_3, window_bounds = array<i64: 4096, 128>}]} {
    %get3A = arith.constant 0 : index
    %get3A_0 = arith.constant 0 : index
    %get3A_1 = vector.load %arg1[%get3A, %get3A_0] : memref<8x128xf32, #tpu.memory_space<vmem>>, vector<1x128xf32>
    %get3A_2 = arith.constant 0 : index
    %get3A_3 = arith.constant 0 : index
    %get3A_4 = vector.load %arg3[%get3A_2, %get3A_3] : memref<4096x64xf32, #tpu.memory_space<vmem>>, vector<4096x64xf32>
    %get3A_5 = arith.constant 0 : index
    %get3A_6 = arith.constant 0 : index
    %get3A_7 = vector.load %arg2[%get3A_5, %get3A_6] : memref<64x128xf32, #tpu.memory_space<vmem>>, vector<64x128xf32>
    %dot_general3A = arith.constant dense<0.000000e+00> : vector<4096x128xf32>
    %dot_general3A_8 = tpu.matmul %get3A_4, %get3A_7, %dot_general3A {dimension_numbers = #tpu.dot_dimension_numbers<[1], [0], [0], [1], [0, 0, 1, 1], [], []>, transpose_lhs_hint = false} : vector<4096x64xf32>, vector<64x128xf32>, vector<4096x128xf32> -> vector<4096x128xf32>
    %add3A = vector.broadcast %get3A_1 : vector<1x128xf32> to vector<4096x128xf32>
    %add3A_9 = arith.addf %add3A, %dot_general3A_8 : vector<4096x128xf32>
    %max3A = arith.constant 0.000000e+00 : f32
    %max3A_10 = vector.broadcast %max3A : f32 to vector<4096x128xf32>
    %max3A_11 = arith.maximumf %add3A_9, %max3A_10 : vector<4096x128xf32>
    %swap3A = arith.constant 0 : index
    %swap3A_12 = arith.constant 0 : index
    %swap3A_13 = vector.load %arg4[%swap3A, %swap3A_12] : memref<4096x128xf32, #tpu.memory_space<vmem>>, vector<4096x128xf32>
    tpu.vector_store %arg4[%swap3A, %swap3A_12], %max3A_11 {strides = array<i32>} : memref<4096x128xf32, #tpu.memory_space<vmem>>, vector<4096x128xf32>,
    return
  }
  func.func @transform_0(%arg0: i32) -> (i32, i32) {
    %c0_i32 = arith.constant 0 : i32
    %c0_i32_0 = arith.constant 0 : i32
    %c0_i32_1 = arith.constant 0 : i32
    return %c0_i32, %c0_i32_0 : i32, i32
  }
  func.func @transform_1(%arg0: i32) -> (i32, i32) {
    %c0_i32 = arith.constant 0 : i32
    %c0_i32_0 = arith.constant 0 : i32
    %c0_i32_1 = arith.constant 0 : i32
    return %c0_i32, %c0_i32_0 : i32, i32
  }
  func.func @transform_2(%arg0: i32) -> (i32, i32) {
    %c0_i32 = arith.constant 0 : i32
    %c0_i32_0 = arith.constant 0 : i32
    return %arg0, %c0_i32 : i32, i32
  }
  func.func @transform_3(%arg0: i32) -> (i32, i32) {
    %c0_i32 = arith.constant 0 : i32
    %c0_i32_0 = arith.constant 0 : i32
    return %arg0, %c0_i32 : i32, i32
  }
}

module attributes {stable_mosaic.version = 14 : i64} {
  func.func @_finalize_body(%arg0: i32, %arg1: memref<2048x128xf32, #tpu.memory_space<vmem>>, %arg2: memref<2048x1xf32, #tpu.memory_space<vmem>>, %arg3: memref<32x128xf32, #tpu.memory_space<vmem>>) attributes {dimension_semantics = [#tpu.dimension_semantics<arbitrary>], iteration_bounds = array<i64: 512>, scalar_prefetch = 0 : i64, scratch_operands = 0 : i64, tpu.core_type = #tpu.core_type<tc>, window_params = [{transform_indices = @transform_0, window_bounds = array<i64: 2048, 128>}, {transform_indices = @transform_1, window_bounds = array<i64: 2048, 1>}, {transform_indices = @transform_2, window_bounds = array<i64: 32, 128>}]} {
    %get3A = arith.constant 0 : index
    %get3A_0 = arith.constant 0 : index
    %get3A_1 = vector.load %arg1[%get3A, %get3A_0] : memref<2048x128xf32, #tpu.memory_space<vmem>>, vector<2048x128xf32>
    %get3A_2 = arith.constant 0 : index
    %get3A_3 = arith.constant 0 : index
    %get3A_4 = vector.load %arg2[%get3A_2, %get3A_3] : memref<2048x1xf32, #tpu.memory_space<vmem>>, vector<2048x1xf32>
    %gt3A = arith.constant 0.000000e+00 : f32
    %gt3A_5 = vector.broadcast %gt3A : f32 to vector<2048x1xf32>
    %gt3A_6 = arith.cmpf ogt, %get3A_4, %gt3A_5 : vector<2048x1xf32>
    %jit3A = arith.constant 0xFF800000 : f32
    %broadcast_in_dim3A = vector.shape_cast %gt3A_6 : vector<2048x1xi1> to vector<2048x1xi1>
    %broadcast_in_dim3A_7 = vector.broadcast %broadcast_in_dim3A : vector<2048x1xi1> to vector<2048x128xi1>
    %broadcast_in_dim3A_8 = vector.broadcast %jit3A : f32 to vector<2048x128xf32>
    %select_n3A = arith.select %broadcast_in_dim3A_7, %get3A_1, %broadcast_in_dim3A_8 : vector<2048x128xi1>, vector<2048x128xf32>
    %reshape3A = vector.shape_cast %select_n3A : vector<2048x128xf32> to vector<32x64x128xf32>
    %reduce_max3A = arith.constant dense<0xFF800000> : vector<32x128xf32>
    %reduce_max3A_9 = vector.multi_reduction <maximumf>, %reshape3A, %reduce_max3A [1] : vector<32x64x128xf32> to vector<32x128xf32>
    %gt3A_10 = arith.constant 0xFF800000 : f32
    %gt3A_11 = vector.broadcast %gt3A_10 : f32 to vector<32x128xf32>
    %gt3A_12 = arith.cmpf ogt, %reduce_max3A_9, %gt3A_11 : vector<32x128xf32>
    %jit3A_13 = arith.constant 0.000000e+00 : f32
    %broadcast_in_dim3A_14 = vector.broadcast %jit3A_13 : f32 to vector<32x128xf32>
    %select_n3A_15 = arith.select %gt3A_12, %reduce_max3A_9, %broadcast_in_dim3A_14 : vector<32x128xi1>, vector<32x128xf32>
    %swap3A = arith.constant 0 : index
    %swap3A_16 = arith.constant 0 : index
    %swap3A_17 = vector.load %arg3[%swap3A, %swap3A_16] : memref<32x128xf32, #tpu.memory_space<vmem>>, vector<32x128xf32>
    tpu.vector_store %arg3[%swap3A, %swap3A_16], %select_n3A_15 {strides = array<i32>} : memref<32x128xf32, #tpu.memory_space<vmem>>, vector<32x128xf32>,
    return
  }
  func.func @transform_0(%arg0: i32) -> (i32, i32) {
    %c0_i32 = arith.constant 0 : i32
    %c0_i32_0 = arith.constant 0 : i32
    return %arg0, %c0_i32 : i32, i32
  }
  func.func @transform_1(%arg0: i32) -> (i32, i32) {
    %c0_i32 = arith.constant 0 : i32
    %c0_i32_0 = arith.constant 0 : i32
    return %arg0, %c0_i32 : i32, i32
  }
  func.func @transform_2(%arg0: i32) -> (i32, i32) {
    %c0_i32 = arith.constant 0 : i32
    %c0_i32_0 = arith.constant 0 : i32
    return %arg0, %c0_i32 : i32, i32
  }
}

module attributes {stable_mosaic.version = 14 : i64} {
  func.func @_layer_body(%arg0: i32, %arg1: memref<8x128xf32, #tpu.memory_space<vmem>>, %arg2: memref<131x128xf32, #tpu.memory_space<vmem>>, %arg3: memref<4096x131xf32, #tpu.memory_space<vmem>>, %arg4: memref<4096x128xf32, #tpu.memory_space<vmem>>) attributes {dimension_semantics = [#tpu.dimension_semantics<arbitrary>], iteration_bounds = array<i64: 64>, scalar_prefetch = 0 : i64, scratch_operands = 0 : i64, tpu.core_type = #tpu.core_type<tc>, window_params = [{pipeline_mode = #tpu.pipeline_mode<synchronous>, transform_indices = @transform_0, window_bounds = array<i64: 8, 128>}, {pipeline_mode = #tpu.pipeline_mode<synchronous>, transform_indices = @transform_1, window_bounds = array<i64: 131, 128>}, {transform_indices = @transform_2, window_bounds = array<i64: 4096, 131>}, {transform_indices = @transform_3, window_bounds = array<i64: 4096, 128>}]} {
    %get3A = arith.constant 0 : index
    %get3A_0 = arith.constant 0 : index
    %get3A_1 = vector.load %arg1[%get3A, %get3A_0] : memref<8x128xf32, #tpu.memory_space<vmem>>, vector<1x128xf32>
    %get3A_2 = arith.constant 0 : index
    %get3A_3 = arith.constant 0 : index
    %get3A_4 = vector.load %arg3[%get3A_2, %get3A_3] : memref<4096x131xf32, #tpu.memory_space<vmem>>, vector<4096x131xf32>
    %get3A_5 = arith.constant 0 : index
    %get3A_6 = arith.constant 0 : index
    %get3A_7 = vector.load %arg2[%get3A_5, %get3A_6] : memref<131x128xf32, #tpu.memory_space<vmem>>, vector<131x128xf32>
    %dot_general3A = arith.constant dense<0.000000e+00> : vector<4096x128xf32>
    %dot_general3A_8 = tpu.matmul %get3A_4, %get3A_7, %dot_general3A {dimension_numbers = #tpu.dot_dimension_numbers<[1], [0], [0], [1], [0, 0, 1, 1], [], []>, transpose_lhs_hint = false} : vector<4096x131xf32>, vector<131x128xf32>, vector<4096x128xf32> -> vector<4096x128xf32>
    %add3A = vector.broadcast %get3A_1 : vector<1x128xf32> to vector<4096x128xf32>
    %add3A_9 = arith.addf %add3A, %dot_general3A_8 : vector<4096x128xf32>
    %max3A = arith.constant 0.000000e+00 : f32
    %max3A_10 = vector.broadcast %max3A : f32 to vector<4096x128xf32>
    %max3A_11 = arith.maximumf %add3A_9, %max3A_10 : vector<4096x128xf32>
    %swap3A = arith.constant 0 : index
    %swap3A_12 = arith.constant 0 : index
    %swap3A_13 = vector.load %arg4[%swap3A, %swap3A_12] : memref<4096x128xf32, #tpu.memory_space<vmem>>, vector<4096x128xf32>
    tpu.vector_store %arg4[%swap3A, %swap3A_12], %max3A_11 {strides = array<i32>} : memref<4096x128xf32, #tpu.memory_space<vmem>>, vector<4096x128xf32>,
    return
  }
  func.func @transform_0(%arg0: i32) -> (i32, i32) {
    %c0_i32 = arith.constant 0 : i32
    %c0_i32_0 = arith.constant 0 : i32
    %c0_i32_1 = arith.constant 0 : i32
    return %c0_i32, %c0_i32_0 : i32, i32
  }
  func.func @transform_1(%arg0: i32) -> (i32, i32) {
    %c0_i32 = arith.constant 0 : i32
    %c0_i32_0 = arith.constant 0 : i32
    %c0_i32_1 = arith.constant 0 : i32
    return %c0_i32, %c0_i32_0 : i32, i32
  }
  func.func @transform_2(%arg0: i32) -> (i32, i32) {
    %c0_i32 = arith.constant 0 : i32
    %c0_i32_0 = arith.constant 0 : i32
    return %arg0, %c0_i32 : i32, i32
  }
  func.func @transform_3(%arg0: i32) -> (i32, i32) {
    %c0_i32 = arith.constant 0 : i32
    %c0_i32_0 = arith.constant 0 : i32
    return %arg0, %c0_i32 : i32, i32
  }
}

module attributes {stable_mosaic.version = 14 : i64} {
  func.func @_layer_body(%arg0: i32, %arg1: memref<8x128xf32, #tpu.memory_space<vmem>>, %arg2: memref<128x128xf32, #tpu.memory_space<vmem>>, %arg3: memref<4096x128xf32, #tpu.memory_space<vmem>>, %arg4: memref<4096x128xf32, #tpu.memory_space<vmem>>) attributes {dimension_semantics = [#tpu.dimension_semantics<arbitrary>], iteration_bounds = array<i64: 64>, scalar_prefetch = 0 : i64, scratch_operands = 0 : i64, tpu.core_type = #tpu.core_type<tc>, window_params = [{pipeline_mode = #tpu.pipeline_mode<synchronous>, transform_indices = @transform_0, window_bounds = array<i64: 8, 128>}, {pipeline_mode = #tpu.pipeline_mode<synchronous>, transform_indices = @transform_1, window_bounds = array<i64: 128, 128>}, {transform_indices = @transform_2, window_bounds = array<i64: 4096, 128>}, {transform_indices = @transform_3, window_bounds = array<i64: 4096, 128>}]} {
    %get3A = arith.constant 0 : index
    %get3A_0 = arith.constant 0 : index
    %get3A_1 = vector.load %arg1[%get3A, %get3A_0] : memref<8x128xf32, #tpu.memory_space<vmem>>, vector<1x128xf32>
    %get3A_2 = arith.constant 0 : index
    %get3A_3 = arith.constant 0 : index
    %get3A_4 = vector.load %arg3[%get3A_2, %get3A_3] : memref<4096x128xf32, #tpu.memory_space<vmem>>, vector<4096x128xf32>
    %get3A_5 = arith.constant 0 : index
    %get3A_6 = arith.constant 0 : index
    %get3A_7 = vector.load %arg2[%get3A_5, %get3A_6] : memref<128x128xf32, #tpu.memory_space<vmem>>, vector<128x128xf32>
    %dot_general3A = arith.constant dense<0.000000e+00> : vector<4096x128xf32>
    %dot_general3A_8 = tpu.matmul %get3A_4, %get3A_7, %dot_general3A {dimension_numbers = #tpu.dot_dimension_numbers<[1], [0], [0], [1], [0, 0, 1, 1], [], []>, transpose_lhs_hint = false} : vector<4096x128xf32>, vector<128x128xf32>, vector<4096x128xf32> -> vector<4096x128xf32>
    %add3A = vector.broadcast %get3A_1 : vector<1x128xf32> to vector<4096x128xf32>
    %add3A_9 = arith.addf %add3A, %dot_general3A_8 : vector<4096x128xf32>
    %max3A = arith.constant 0.000000e+00 : f32
    %max3A_10 = vector.broadcast %max3A : f32 to vector<4096x128xf32>
    %max3A_11 = arith.maximumf %add3A_9, %max3A_10 : vector<4096x128xf32>
    %swap3A = arith.constant 0 : index
    %swap3A_12 = arith.constant 0 : index
    %swap3A_13 = vector.load %arg4[%swap3A, %swap3A_12] : memref<4096x128xf32, #tpu.memory_space<vmem>>, vector<4096x128xf32>
    tpu.vector_store %arg4[%swap3A, %swap3A_12], %max3A_11 {strides = array<i32>} : memref<4096x128xf32, #tpu.memory_space<vmem>>, vector<4096x128xf32>,
    return
  }
  func.func @transform_0(%arg0: i32) -> (i32, i32) {
    %c0_i32 = arith.constant 0 : i32
    %c0_i32_0 = arith.constant 0 : i32
    %c0_i32_1 = arith.constant 0 : i32
    return %c0_i32, %c0_i32_0 : i32, i32
  }
  func.func @transform_1(%arg0: i32) -> (i32, i32) {
    %c0_i32 = arith.constant 0 : i32
    %c0_i32_0 = arith.constant 0 : i32
    %c0_i32_1 = arith.constant 0 : i32
    return %c0_i32, %c0_i32_0 : i32, i32
  }
  func.func @transform_2(%arg0: i32) -> (i32, i32) {
    %c0_i32 = arith.constant 0 : i32
    %c0_i32_0 = arith.constant 0 : i32
    return %arg0, %c0_i32 : i32, i32
  }
  func.func @transform_3(%arg0: i32) -> (i32, i32) {
    %c0_i32 = arith.constant 0 : i32
    %c0_i32_0 = arith.constant 0 : i32
    return %arg0, %c0_i32 : i32, i32
  }
}

module attributes {stable_mosaic.version = 14 : i64} {
  func.func @_layer_body(%arg0: i32, %arg1: memref<8x256xf32, #tpu.memory_space<vmem>>, %arg2: memref<128x256xf32, #tpu.memory_space<vmem>>, %arg3: memref<4096x128xf32, #tpu.memory_space<vmem>>, %arg4: memref<4096x256xf32, #tpu.memory_space<vmem>>) attributes {dimension_semantics = [#tpu.dimension_semantics<arbitrary>], iteration_bounds = array<i64: 64>, scalar_prefetch = 0 : i64, scratch_operands = 0 : i64, tpu.core_type = #tpu.core_type<tc>, window_params = [{pipeline_mode = #tpu.pipeline_mode<synchronous>, transform_indices = @transform_0, window_bounds = array<i64: 8, 256>}, {pipeline_mode = #tpu.pipeline_mode<synchronous>, transform_indices = @transform_1, window_bounds = array<i64: 128, 256>}, {transform_indices = @transform_2, window_bounds = array<i64: 4096, 128>}, {transform_indices = @transform_3, window_bounds = array<i64: 4096, 256>}]} {
    %get3A = arith.constant 0 : index
    %get3A_0 = arith.constant 0 : index
    %get3A_1 = vector.load %arg1[%get3A, %get3A_0] : memref<8x256xf32, #tpu.memory_space<vmem>>, vector<1x256xf32>
    %get3A_2 = arith.constant 0 : index
    %get3A_3 = arith.constant 0 : index
    %get3A_4 = vector.load %arg3[%get3A_2, %get3A_3] : memref<4096x128xf32, #tpu.memory_space<vmem>>, vector<4096x128xf32>
    %get3A_5 = arith.constant 0 : index
    %get3A_6 = arith.constant 0 : index
    %get3A_7 = vector.load %arg2[%get3A_5, %get3A_6] : memref<128x256xf32, #tpu.memory_space<vmem>>, vector<128x256xf32>
    %dot_general3A = arith.constant dense<0.000000e+00> : vector<4096x256xf32>
    %dot_general3A_8 = tpu.matmul %get3A_4, %get3A_7, %dot_general3A {dimension_numbers = #tpu.dot_dimension_numbers<[1], [0], [0], [1], [0, 0, 1, 1], [], []>, transpose_lhs_hint = false} : vector<4096x128xf32>, vector<128x256xf32>, vector<4096x256xf32> -> vector<4096x256xf32>
    %add3A = vector.broadcast %get3A_1 : vector<1x256xf32> to vector<4096x256xf32>
    %add3A_9 = arith.addf %add3A, %dot_general3A_8 : vector<4096x256xf32>
    %max3A = arith.constant 0.000000e+00 : f32
    %max3A_10 = vector.broadcast %max3A : f32 to vector<4096x256xf32>
    %max3A_11 = arith.maximumf %add3A_9, %max3A_10 : vector<4096x256xf32>
    %swap3A = arith.constant 0 : index
    %swap3A_12 = arith.constant 0 : index
    %swap3A_13 = vector.load %arg4[%swap3A, %swap3A_12] : memref<4096x256xf32, #tpu.memory_space<vmem>>, vector<4096x256xf32>
    tpu.vector_store %arg4[%swap3A, %swap3A_12], %max3A_11 {strides = array<i32>} : memref<4096x256xf32, #tpu.memory_space<vmem>>, vector<4096x256xf32>,
    return
  }
  func.func @transform_0(%arg0: i32) -> (i32, i32) {
    %c0_i32 = arith.constant 0 : i32
    %c0_i32_0 = arith.constant 0 : i32
    %c0_i32_1 = arith.constant 0 : i32
    return %c0_i32, %c0_i32_0 : i32, i32
  }
  func.func @transform_1(%arg0: i32) -> (i32, i32) {
    %c0_i32 = arith.constant 0 : i32
    %c0_i32_0 = arith.constant 0 : i32
    %c0_i32_1 = arith.constant 0 : i32
    return %c0_i32, %c0_i32_0 : i32, i32
  }
  func.func @transform_2(%arg0: i32) -> (i32, i32) {
    %c0_i32 = arith.constant 0 : i32
    %c0_i32_0 = arith.constant 0 : i32
    return %arg0, %c0_i32 : i32, i32
  }
  func.func @transform_3(%arg0: i32) -> (i32, i32) {
    %c0_i32 = arith.constant 0 : i32
    %c0_i32_0 = arith.constant 0 : i32
    return %arg0, %c0_i32 : i32, i32
  }
}

module attributes {stable_mosaic.version = 14 : i64} {
  func.func @_finalize_body(%arg0: i32, %arg1: memref<2048x256xf32, #tpu.memory_space<vmem>>, %arg2: memref<2048x1xf32, #tpu.memory_space<vmem>>, %arg3: memref<32x256xf32, #tpu.memory_space<vmem>>) attributes {dimension_semantics = [#tpu.dimension_semantics<arbitrary>], iteration_bounds = array<i64: 128>, scalar_prefetch = 0 : i64, scratch_operands = 0 : i64, tpu.core_type = #tpu.core_type<tc>, window_params = [{transform_indices = @transform_0, window_bounds = array<i64: 2048, 256>}, {transform_indices = @transform_1, window_bounds = array<i64: 2048, 1>}, {transform_indices = @transform_2, window_bounds = array<i64: 32, 256>}]} {
    %get3A = arith.constant 0 : index
    %get3A_0 = arith.constant 0 : index
    %get3A_1 = vector.load %arg1[%get3A, %get3A_0] : memref<2048x256xf32, #tpu.memory_space<vmem>>, vector<2048x256xf32>
    %get3A_2 = arith.constant 0 : index
    %get3A_3 = arith.constant 0 : index
    %get3A_4 = vector.load %arg2[%get3A_2, %get3A_3] : memref<2048x1xf32, #tpu.memory_space<vmem>>, vector<2048x1xf32>
    %gt3A = arith.constant 0.000000e+00 : f32
    %gt3A_5 = vector.broadcast %gt3A : f32 to vector<2048x1xf32>
    %gt3A_6 = arith.cmpf ogt, %get3A_4, %gt3A_5 : vector<2048x1xf32>
    %jit3A = arith.constant 0xFF800000 : f32
    %broadcast_in_dim3A = vector.shape_cast %gt3A_6 : vector<2048x1xi1> to vector<2048x1xi1>
    %broadcast_in_dim3A_7 = vector.broadcast %broadcast_in_dim3A : vector<2048x1xi1> to vector<2048x256xi1>
    %broadcast_in_dim3A_8 = vector.broadcast %jit3A : f32 to vector<2048x256xf32>
    %select_n3A = arith.select %broadcast_in_dim3A_7, %get3A_1, %broadcast_in_dim3A_8 : vector<2048x256xi1>, vector<2048x256xf32>
    %reshape3A = vector.shape_cast %select_n3A : vector<2048x256xf32> to vector<32x64x256xf32>
    %reduce_max3A = arith.constant dense<0xFF800000> : vector<32x256xf32>
    %reduce_max3A_9 = vector.multi_reduction <maximumf>, %reshape3A, %reduce_max3A [1] : vector<32x64x256xf32> to vector<32x256xf32>
    %gt3A_10 = arith.constant 0xFF800000 : f32
    %gt3A_11 = vector.broadcast %gt3A_10 : f32 to vector<32x256xf32>
    %gt3A_12 = arith.cmpf ogt, %reduce_max3A_9, %gt3A_11 : vector<32x256xf32>
    %jit3A_13 = arith.constant 0.000000e+00 : f32
    %broadcast_in_dim3A_14 = vector.broadcast %jit3A_13 : f32 to vector<32x256xf32>
    %select_n3A_15 = arith.select %gt3A_12, %reduce_max3A_9, %broadcast_in_dim3A_14 : vector<32x256xi1>, vector<32x256xf32>
    %swap3A = arith.constant 0 : index
    %swap3A_16 = arith.constant 0 : index
    %swap3A_17 = vector.load %arg3[%swap3A, %swap3A_16] : memref<32x256xf32, #tpu.memory_space<vmem>>, vector<32x256xf32>
    tpu.vector_store %arg3[%swap3A, %swap3A_16], %select_n3A_15 {strides = array<i32>} : memref<32x256xf32, #tpu.memory_space<vmem>>, vector<32x256xf32>,
    return
  }
  func.func @transform_0(%arg0: i32) -> (i32, i32) {
    %c0_i32 = arith.constant 0 : i32
    %c0_i32_0 = arith.constant 0 : i32
    return %arg0, %c0_i32 : i32, i32
  }
  func.func @transform_1(%arg0: i32) -> (i32, i32) {
    %c0_i32 = arith.constant 0 : i32
    %c0_i32_0 = arith.constant 0 : i32
    return %arg0, %c0_i32 : i32, i32
  }
  func.func @transform_2(%arg0: i32) -> (i32, i32) {
    %c0_i32 = arith.constant 0 : i32
    %c0_i32_0 = arith.constant 0 : i32
    return %arg0, %c0_i32 : i32, i32
  }
}

module attributes {stable_mosaic.version = 14 : i64} {
  func.func @_layer_body(%arg0: i32, %arg1: memref<8x256xf32, #tpu.memory_space<vmem>>, %arg2: memref<259x256xf32, #tpu.memory_space<vmem>>, %arg3: memref<4096x259xf32, #tpu.memory_space<vmem>>, %arg4: memref<4096x256xf32, #tpu.memory_space<vmem>>) attributes {dimension_semantics = [#tpu.dimension_semantics<arbitrary>], iteration_bounds = array<i64: 1>, scalar_prefetch = 0 : i64, scratch_operands = 0 : i64, tpu.core_type = #tpu.core_type<tc>, window_params = [{pipeline_mode = #tpu.pipeline_mode<synchronous>, transform_indices = @transform_0, window_bounds = array<i64: 8, 256>}, {pipeline_mode = #tpu.pipeline_mode<synchronous>, transform_indices = @transform_1, window_bounds = array<i64: 259, 256>}, {transform_indices = @transform_2, window_bounds = array<i64: 4096, 259>}, {transform_indices = @transform_3, window_bounds = array<i64: 4096, 256>}]} {
    %get3A = arith.constant 0 : index
    %get3A_0 = arith.constant 0 : index
    %get3A_1 = vector.load %arg1[%get3A, %get3A_0] : memref<8x256xf32, #tpu.memory_space<vmem>>, vector<1x256xf32>
    %get3A_2 = arith.constant 0 : index
    %get3A_3 = arith.constant 0 : index
    %get3A_4 = vector.load %arg3[%get3A_2, %get3A_3] : memref<4096x259xf32, #tpu.memory_space<vmem>>, vector<4096x259xf32>
    %get3A_5 = arith.constant 0 : index
    %get3A_6 = arith.constant 0 : index
    %get3A_7 = vector.load %arg2[%get3A_5, %get3A_6] : memref<259x256xf32, #tpu.memory_space<vmem>>, vector<259x256xf32>
    %dot_general3A = arith.constant dense<0.000000e+00> : vector<4096x256xf32>
    %dot_general3A_8 = tpu.matmul %get3A_4, %get3A_7, %dot_general3A {dimension_numbers = #tpu.dot_dimension_numbers<[1], [0], [0], [1], [0, 0, 1, 1], [], []>, transpose_lhs_hint = false} : vector<4096x259xf32>, vector<259x256xf32>, vector<4096x256xf32> -> vector<4096x256xf32>
    %add3A = vector.broadcast %get3A_1 : vector<1x256xf32> to vector<4096x256xf32>
    %add3A_9 = arith.addf %add3A, %dot_general3A_8 : vector<4096x256xf32>
    %max3A = arith.constant 0.000000e+00 : f32
    %max3A_10 = vector.broadcast %max3A : f32 to vector<4096x256xf32>
    %max3A_11 = arith.maximumf %add3A_9, %max3A_10 : vector<4096x256xf32>
    %swap3A = arith.constant 0 : index
    %swap3A_12 = arith.constant 0 : index
    %swap3A_13 = vector.load %arg4[%swap3A, %swap3A_12] : memref<4096x256xf32, #tpu.memory_space<vmem>>, vector<4096x256xf32>
    tpu.vector_store %arg4[%swap3A, %swap3A_12], %max3A_11 {strides = array<i32>} : memref<4096x256xf32, #tpu.memory_space<vmem>>, vector<4096x256xf32>,
    return
  }
  func.func @transform_0(%arg0: i32) -> (i32, i32) {
    %c0_i32 = arith.constant 0 : i32
    %c0_i32_0 = arith.constant 0 : i32
    %c0_i32_1 = arith.constant 0 : i32
    return %c0_i32, %c0_i32_0 : i32, i32
  }
  func.func @transform_1(%arg0: i32) -> (i32, i32) {
    %c0_i32 = arith.constant 0 : i32
    %c0_i32_0 = arith.constant 0 : i32
    %c0_i32_1 = arith.constant 0 : i32
    return %c0_i32, %c0_i32_0 : i32, i32
  }
  func.func @transform_2(%arg0: i32) -> (i32, i32) {
    %c0_i32 = arith.constant 0 : i32
    %c0_i32_0 = arith.constant 0 : i32
    return %arg0, %c0_i32 : i32, i32
  }
  func.func @transform_3(%arg0: i32) -> (i32, i32) {
    %c0_i32 = arith.constant 0 : i32
    %c0_i32_0 = arith.constant 0 : i32
    return %arg0, %c0_i32 : i32, i32
  }
}

module attributes {stable_mosaic.version = 14 : i64} {
  func.func @_layer_body(%arg0: i32, %arg1: memref<8x512xf32, #tpu.memory_space<vmem>>, %arg2: memref<256x512xf32, #tpu.memory_space<vmem>>, %arg3: memref<4096x256xf32, #tpu.memory_space<vmem>>, %arg4: memref<4096x512xf32, #tpu.memory_space<vmem>>) attributes {dimension_semantics = [#tpu.dimension_semantics<arbitrary>], iteration_bounds = array<i64: 1>, scalar_prefetch = 0 : i64, scratch_operands = 0 : i64, tpu.core_type = #tpu.core_type<tc>, window_params = [{pipeline_mode = #tpu.pipeline_mode<synchronous>, transform_indices = @transform_0, window_bounds = array<i64: 8, 512>}, {pipeline_mode = #tpu.pipeline_mode<synchronous>, transform_indices = @transform_1, window_bounds = array<i64: 256, 512>}, {transform_indices = @transform_2, window_bounds = array<i64: 4096, 256>}, {transform_indices = @transform_3, window_bounds = array<i64: 4096, 512>}]} {
    %get3A = arith.constant 0 : index
    %get3A_0 = arith.constant 0 : index
    %get3A_1 = vector.load %arg1[%get3A, %get3A_0] : memref<8x512xf32, #tpu.memory_space<vmem>>, vector<1x512xf32>
    %get3A_2 = arith.constant 0 : index
    %get3A_3 = arith.constant 0 : index
    %get3A_4 = vector.load %arg3[%get3A_2, %get3A_3] : memref<4096x256xf32, #tpu.memory_space<vmem>>, vector<4096x256xf32>
    %get3A_5 = arith.constant 0 : index
    %get3A_6 = arith.constant 0 : index
    %get3A_7 = vector.load %arg2[%get3A_5, %get3A_6] : memref<256x512xf32, #tpu.memory_space<vmem>>, vector<256x512xf32>
    %dot_general3A = arith.constant dense<0.000000e+00> : vector<4096x512xf32>
    %dot_general3A_8 = tpu.matmul %get3A_4, %get3A_7, %dot_general3A {dimension_numbers = #tpu.dot_dimension_numbers<[1], [0], [0], [1], [0, 0, 1, 1], [], []>, transpose_lhs_hint = false} : vector<4096x256xf32>, vector<256x512xf32>, vector<4096x512xf32> -> vector<4096x512xf32>
    %add3A = vector.broadcast %get3A_1 : vector<1x512xf32> to vector<4096x512xf32>
    %add3A_9 = arith.addf %add3A, %dot_general3A_8 : vector<4096x512xf32>
    %max3A = arith.constant 0.000000e+00 : f32
    %max3A_10 = vector.broadcast %max3A : f32 to vector<4096x512xf32>
    %max3A_11 = arith.maximumf %add3A_9, %max3A_10 : vector<4096x512xf32>
    %swap3A = arith.constant 0 : index
    %swap3A_12 = arith.constant 0 : index
    %swap3A_13 = vector.load %arg4[%swap3A, %swap3A_12] : memref<4096x512xf32, #tpu.memory_space<vmem>>, vector<4096x512xf32>
    tpu.vector_store %arg4[%swap3A, %swap3A_12], %max3A_11 {strides = array<i32>} : memref<4096x512xf32, #tpu.memory_space<vmem>>, vector<4096x512xf32>,
    return
  }
  func.func @transform_0(%arg0: i32) -> (i32, i32) {
    %c0_i32 = arith.constant 0 : i32
    %c0_i32_0 = arith.constant 0 : i32
    %c0_i32_1 = arith.constant 0 : i32
    return %c0_i32, %c0_i32_0 : i32, i32
  }
  func.func @transform_1(%arg0: i32) -> (i32, i32) {
    %c0_i32 = arith.constant 0 : i32
    %c0_i32_0 = arith.constant 0 : i32
    %c0_i32_1 = arith.constant 0 : i32
    return %c0_i32, %c0_i32_0 : i32, i32
  }
  func.func @transform_2(%arg0: i32) -> (i32, i32) {
    %c0_i32 = arith.constant 0 : i32
    %c0_i32_0 = arith.constant 0 : i32
    return %arg0, %c0_i32 : i32, i32
  }
  func.func @transform_3(%arg0: i32) -> (i32, i32) {
    %c0_i32 = arith.constant 0 : i32
    %c0_i32_0 = arith.constant 0 : i32
    return %arg0, %c0_i32 : i32, i32
  }
}

module attributes {stable_mosaic.version = 14 : i64} {
  func.func @_layer_body(%arg0: i32, %arg1: memref<8x1024xf32, #tpu.memory_space<vmem>>, %arg2: memref<512x1024xf32, #tpu.memory_space<vmem>>, %arg3: memref<4096x512xf32, #tpu.memory_space<vmem>>, %arg4: memref<4096x1024xf32, #tpu.memory_space<vmem>>) attributes {dimension_semantics = [#tpu.dimension_semantics<arbitrary>], iteration_bounds = array<i64: 1>, scalar_prefetch = 0 : i64, scratch_operands = 0 : i64, tpu.core_type = #tpu.core_type<tc>, window_params = [{pipeline_mode = #tpu.pipeline_mode<synchronous>, transform_indices = @transform_0, window_bounds = array<i64: 8, 1024>}, {pipeline_mode = #tpu.pipeline_mode<synchronous>, transform_indices = @transform_1, window_bounds = array<i64: 512, 1024>}, {transform_indices = @transform_2, window_bounds = array<i64: 4096, 512>}, {transform_indices = @transform_3, window_bounds = array<i64: 4096, 1024>}]} {
    %get3A = arith.constant 0 : index
    %get3A_0 = arith.constant 0 : index
    %get3A_1 = vector.load %arg1[%get3A, %get3A_0] : memref<8x1024xf32, #tpu.memory_space<vmem>>, vector<1x1024xf32>
    %get3A_2 = arith.constant 0 : index
    %get3A_3 = arith.constant 0 : index
    %get3A_4 = vector.load %arg3[%get3A_2, %get3A_3] : memref<4096x512xf32, #tpu.memory_space<vmem>>, vector<4096x512xf32>
    %get3A_5 = arith.constant 0 : index
    %get3A_6 = arith.constant 0 : index
    %get3A_7 = vector.load %arg2[%get3A_5, %get3A_6] : memref<512x1024xf32, #tpu.memory_space<vmem>>, vector<512x1024xf32>
    %dot_general3A = arith.constant dense<0.000000e+00> : vector<4096x1024xf32>
    %dot_general3A_8 = tpu.matmul %get3A_4, %get3A_7, %dot_general3A {dimension_numbers = #tpu.dot_dimension_numbers<[1], [0], [0], [1], [0, 0, 1, 1], [], []>, transpose_lhs_hint = false} : vector<4096x512xf32>, vector<512x1024xf32>, vector<4096x1024xf32> -> vector<4096x1024xf32>
    %add3A = vector.broadcast %get3A_1 : vector<1x1024xf32> to vector<4096x1024xf32>
    %add3A_9 = arith.addf %add3A, %dot_general3A_8 : vector<4096x1024xf32>
    %max3A = arith.constant 0.000000e+00 : f32
    %max3A_10 = vector.broadcast %max3A : f32 to vector<4096x1024xf32>
    %max3A_11 = arith.maximumf %add3A_9, %max3A_10 : vector<4096x1024xf32>
    %swap3A = arith.constant 0 : index
    %swap3A_12 = arith.constant 0 : index
    %swap3A_13 = vector.load %arg4[%swap3A, %swap3A_12] : memref<4096x1024xf32, #tpu.memory_space<vmem>>, vector<4096x1024xf32>
    tpu.vector_store %arg4[%swap3A, %swap3A_12], %max3A_11 {strides = array<i32>} : memref<4096x1024xf32, #tpu.memory_space<vmem>>, vector<4096x1024xf32>,
    return
  }
  func.func @transform_0(%arg0: i32) -> (i32, i32) {
    %c0_i32 = arith.constant 0 : i32
    %c0_i32_0 = arith.constant 0 : i32
    %c0_i32_1 = arith.constant 0 : i32
    return %c0_i32, %c0_i32_0 : i32, i32
  }
  func.func @transform_1(%arg0: i32) -> (i32, i32) {
    %c0_i32 = arith.constant 0 : i32
    %c0_i32_0 = arith.constant 0 : i32
    %c0_i32_1 = arith.constant 0 : i32
    return %c0_i32, %c0_i32_0 : i32, i32
  }
  func.func @transform_2(%arg0: i32) -> (i32, i32) {
    %c0_i32 = arith.constant 0 : i32
    %c0_i32_0 = arith.constant 0 : i32
    return %arg0, %c0_i32 : i32, i32
  }
  func.func @transform_3(%arg0: i32) -> (i32, i32) {
    %c0_i32 = arith.constant 0 : i32
    %c0_i32_0 = arith.constant 0 : i32
    return %arg0, %c0_i32 : i32, i32
  }
}

module attributes {stable_mosaic.version = 14 : i64} {
  func.func @_head_body(%arg0: memref<4096x1024xf32, #tpu.memory_space<vmem>>, %arg1: memref<1024x1024xf32, #tpu.memory_space<vmem>>, %arg2: memref<8x1024xf32, #tpu.memory_space<vmem>>, %arg3: memref<8x1024xf32, #tpu.memory_space<vmem>>, %arg4: memref<8x1024xf32, #tpu.memory_space<vmem>>, %arg5: memref<16x1024xf32, #tpu.memory_space<vmem>>) attributes {dimension_semantics = [], scalar_prefetch = 0 : i64, scratch_operands = 0 : i64, tpu.core_type = #tpu.core_type<tc>} {
    %get3A = arith.constant 0 : index
    %get3A_0 = arith.constant 0 : index
    %get3A_1 = vector.load %arg0[%get3A, %get3A_0] : memref<4096x1024xf32, #tpu.memory_space<vmem>>, vector<4096x1024xf32>
    %reshape3A = vector.shape_cast %get3A_1 : vector<4096x1024xf32> to vector<16x256x1024xf32>
    %reduce_max3A = arith.constant dense<0xFF800000> : vector<16x1024xf32>
    %reduce_max3A_2 = vector.multi_reduction <maximumf>, %reshape3A, %reduce_max3A [1] : vector<16x256x1024xf32> to vector<16x1024xf32>
    %get3A_3 = arith.constant 0 : index
    %get3A_4 = arith.constant 0 : index
    %get3A_5 = vector.load %arg1[%get3A_3, %get3A_4] : memref<1024x1024xf32, #tpu.memory_space<vmem>>, vector<1024x1024xf32>
    %dot_general3A = arith.constant dense<0.000000e+00> : vector<16x1024xf32>
    %dot_general3A_6 = tpu.matmul %reduce_max3A_2, %get3A_5, %dot_general3A {dimension_numbers = #tpu.dot_dimension_numbers<[1], [0], [0], [1], [0, 0, 1, 1], [], []>, transpose_lhs_hint = false} : vector<16x1024xf32>, vector<1024x1024xf32>, vector<16x1024xf32> -> vector<16x1024xf32>
    %get3A_7 = arith.constant 0 : index
    %get3A_8 = arith.constant 0 : index
    %get3A_9 = vector.load %arg2[%get3A_7, %get3A_8] : memref<8x1024xf32, #tpu.memory_space<vmem>>, vector<1x1024xf32>
    %add3A = vector.broadcast %get3A_9 : vector<1x1024xf32> to vector<16x1024xf32>
    %add3A_10 = arith.addf %dot_general3A_6, %add3A : vector<16x1024xf32>
    %reduce_sum3A = arith.constant dense<0.000000e+00> : vector<1024xf32>
    %reduce_sum3A_11 = vector.multi_reduction <add>, %add3A_10, %reduce_sum3A [0] : vector<16x1024xf32> to vector<1024xf32>
    %broadcast_in_dim3A = vector.shape_cast %reduce_sum3A_11 : vector<1024xf32> to vector<1x1024xf32>
    %div3A = arith.constant 1.600000e+01 : f32
    %div3A_12 = vector.broadcast %div3A : f32 to vector<1x1024xf32>
    %div3A_13 = arith.divf %broadcast_in_dim3A, %div3A_12 : vector<1x1024xf32>
    %sub3A = vector.broadcast %div3A_13 : vector<1x1024xf32> to vector<16x1024xf32>
    %sub3A_14 = arith.subf %add3A_10, %sub3A : vector<16x1024xf32>
    %integer_pow3A = arith.mulf %sub3A_14, %sub3A_14 : vector<16x1024xf32>
    %reduce_sum3A_15 = arith.constant dense<0.000000e+00> : vector<1024xf32>
    %reduce_sum3A_16 = vector.multi_reduction <add>, %integer_pow3A, %reduce_sum3A_15 [0] : vector<16x1024xf32> to vector<1024xf32>
    %broadcast_in_dim3A_17 = vector.shape_cast %reduce_sum3A_16 : vector<1024xf32> to vector<1x1024xf32>
    %div3A_18 = arith.constant 1.600000e+01 : f32
    %div3A_19 = vector.broadcast %div3A_18 : f32 to vector<1x1024xf32>
    %div3A_20 = arith.divf %broadcast_in_dim3A_17, %div3A_19 : vector<1x1024xf32>
    %sub3A_21 = vector.broadcast %div3A_13 : vector<1x1024xf32> to vector<16x1024xf32>
    %sub3A_22 = arith.subf %add3A_10, %sub3A_21 : vector<16x1024xf32>
    %add3A_23 = arith.constant 9.99999974E-6 : f32
    %add3A_24 = vector.broadcast %add3A_23 : f32 to vector<1x1024xf32>
    %add3A_25 = arith.addf %div3A_20, %add3A_24 : vector<1x1024xf32>
    %sqrt3A = math.sqrt %add3A_25 : vector<1x1024xf32>
    %div3A_26 = vector.broadcast %sqrt3A : vector<1x1024xf32> to vector<16x1024xf32>
    %div3A_27 = arith.divf %sub3A_22, %div3A_26 : vector<16x1024xf32>
    %get3A_28 = arith.constant 0 : index
    %get3A_29 = arith.constant 0 : index
    %get3A_30 = vector.load %arg3[%get3A_28, %get3A_29] : memref<8x1024xf32, #tpu.memory_space<vmem>>, vector<1x1024xf32>
    %mul3A = vector.broadcast %get3A_30 : vector<1x1024xf32> to vector<16x1024xf32>
    %mul3A_31 = arith.mulf %div3A_27, %mul3A : vector<16x1024xf32>
    %get3A_32 = arith.constant 0 : index
    %get3A_33 = arith.constant 0 : index
    %get3A_34 = vector.load %arg4[%get3A_32, %get3A_33] : memref<8x1024xf32, #tpu.memory_space<vmem>>, vector<1x1024xf32>
    %add3A_35 = vector.broadcast %get3A_34 : vector<1x1024xf32> to vector<16x1024xf32>
    %add3A_36 = arith.addf %mul3A_31, %add3A_35 : vector<16x1024xf32>
    %max3A = arith.constant 0.000000e+00 : f32
    %max3A_37 = vector.broadcast %max3A : f32 to vector<16x1024xf32>
    %max3A_38 = arith.maximumf %add3A_36, %max3A_37 : vector<16x1024xf32>
    %swap3A = arith.constant 0 : index
    %swap3A_39 = arith.constant 0 : index
    %swap3A_40 = vector.load %arg5[%swap3A, %swap3A_39] : memref<16x1024xf32, #tpu.memory_space<vmem>>, vector<16x1024xf32>
    tpu.vector_store %arg5[%swap3A, %swap3A_39], %max3A_38 {strides = array<i32>} : memref<16x1024xf32, #tpu.memory_space<vmem>>, vector<16x1024xf32>,
    return
  }
}

</mosaic_0001>

<sc_bundles>
// kernel: gather_offload_async_start.1
scs
__scs_entry_jumppad:
0x0: {  	(pc) =	sbr.rel $0x88, $3  }
0x1: {  	(tag) =	ssettag $0x0;
	lr =	simm.s32 $0x1  }
0x2: {  	[smem:$0x3F78] =	sst lr;
	_ =	strace $0xD0000000  }
0x3: {  	_ = 	snop  }
0x4: {  	_ = 	snop  }
0x5: {  	_ = 	snop  }
0x6: {  	_ = 	snop  }
0x7: {  	_ = 	snop  }
__scs_overlays_trampoline_lowered:
0x8: {  	[smem:$0x3F87] =	sst s0  }
0x9: {  	[smem:$0x3F88] =	sst s1  }
0xa: {  	[smem:$0x3F89] =	sst s2  }
0xb: {  	[smem:$0x3F8A] =	sst s3  }
0xc: {  	[smem:$0x3F8B] =	sst s4  }
0xd: {  	[smem:$0x3F8C] =	sst s5  }
0xe: {  	[smem:$0x3F8D] =	sst s6  }
0xf: {  	[smem:$0x3F8E] =	sst s7  }
0x10: {  	[smem:$0x3F8F] =	sst s8  }
0x11: {  	[smem:$0x3F90] =	sst s9;
	s0 =	simm.s32 @!p0 $0x0  }
0x12: {  	s1 =	sld [smem:$0x3F76];
	s0 =	simm.s32 @p0 $0x1  }
0x13: {  	[smem:$0x3F91] =	sst s0;
	s0 =	simm.s32 @!p1 $0x0  }
0x14: {  	s2 =	sld [smem:$0x3F75];
	s0 =	simm.s32 @p1 $0x1  }
0x15: {  	[smem:$0x3F92] =	sst s0;
	s0 =	simm.s32 @!p2 $0x0  }
0x16: {  	s3 =	sld [smem:$0x3FDB];
	s0 =	simm.s32 @p2 $0x1  }
0x17: {  	s4 =	simm.s32 $0x1BF5;
	[smem:$0x3F94] =	sst s0  }
0x18: {  	s0 =	sld [smem:$0x3F77];
	_ =	swait.ge [sflag:s4], $0x0  }
0x19: {  	s7 =	sld [smem:$0x3F78]  }
0x1a: {  	s8 =	sadd.s32 $0xFFFFE003, lr  }
0x1b: {  	s9 =	sadd.s32 $0xFFFFFEF7, lr;
	s5 =	simm.s32 $0xFFFFFFFF;
	p2 =	slt.u32 s8, $0xFFFFF086  }
0x1c: {  	p1 =	slt.u32 s9, $0xF7A;
	s5 =	simm.s32 @!p2 $0x0  }
0x1d: {  	s5 =	simm.s32 @p1 $0x1;
	p0 =	seq.s32 s7, s2  }
0x1e: {  	s7 =	smul.u32 @!p0 $0xF7A, s2;
	p2 =	seq.s32 @!p0 s5, $0x0  }
0x1f: {  	s9 =	smul.u32 $0xF7A, s1;
	s8 =	simm.s32 @!p0 $0x1BF5;
	p2 =	por !p2, p0  }
0x20: {  	[sflag:s8] =	ssyncset.s32 @!p0 $0xFFFFF086;
	s6 =	sadd.s32 @!p0 s3, s7;
	s7 =	simm.s32 @!p0 $0x108  }
0x21: {  	s3 =	sadd.s32 s3, s9;
	s6 =	sadd.s32 @!p0 $0x88, s6;
	s7 =	simm.s32 @p2 $0x1082  }
0x22: {  	[simem:s7], [sflag:s8] =	dma.local @!p0 [hbm:s6], $0xF7A  }
0x23: {  	s9 =	sor.u32 $0xD0000000, s2;
	s6 =	simm.s32 $0x108;
	_ =	swait.ge @!p0 [sflag:s8], $0x0  }
0x24: {  	s3 =	sadd.s32 $0x88, s3;
	s6 =	simm.s32 @!p1 $0x1082;
	[sflag:s4] =	ssyncset.s32 $0xFFFFF086  }
0x25: {  	[simem:s6], [sflag:s4] =	dma.local [hbm:s3], $0xF7A  }
0x26: {  	[smem:$0x3F78] =	sst s1;
	(tag) =	ssettag s2;
	_ =	strace s9  }
0x27: {  	s1 =	sld [smem:$0x3F88]  }
0x28: {  	s2 =	sld [smem:$0x3F89]  }
0x29: {  	s4 =	sld [smem:$0x3F8B]  }
0x2a: {  	p0 =	seq.s32 s5, $0x0;
	s5 =	sld [smem:$0x3F8C]  }
0x2b: {  	s6 =	sld [smem:$0x3F8D]  }
0x2c: {  	s7 =	sld [smem:$0x3F8E]  }
0x2d: {  	s3 =	simm.s32 $0x108;
	s8 =	sld [smem:$0x3F8F]  }
0x2e: {  	s3 =	simm.s32 @!p0 $0x1082;
	s9 =	sld [smem:$0x3F90]  }
0x2f: {  	lr =	sadd.s32 s0, s3;
	s0 =	sld [smem:$0x3F87]  }
0x30: {  	s3 =	sld [smem:$0x3F8A]  }
0x31: {  	[smem:$0x3F93] =	sst s10  }
0x32: {  	s10 =	sld [smem:$0x3F91];
	_ =	sdelay $0x3  }
0x33: {  	p0 =	seq.s32 s10, $0x1;
	s10 =	sld [smem:$0x3F93];
	_ =	sdelay $0x3  }
0x34: {  	[smem:$0x3F93] =	sst s10  }
0x35: {  	s10 =	sld [smem:$0x3F92];
	_ =	sdelay $0x3  }
0x36: {  	p1 =	seq.s32 s10, $0x1;
	s10 =	sld [smem:$0x3F93];
	_ =	sdelay $0x3  }
0x37: {  	[smem:$0x3F93] =	sst s10  }
0x38: {  	s10 =	sld [smem:$0x3F94]  }
0x39: {  	_ = 	snop;
	(pc) =	sbr.ind lr, $3  }
0x3a: {  	_ = 	snop  }
0x3b: {  	_ = 	snop  }
0x3c: {  	p2 =	seq.s32 s10, $0x1;
	s10 =	sld [smem:$0x3F93]  }
0x3d: {  	_ =	shalt  }
0x3e: {  	_ =	shalt  }
0x3f: {  	_ =	shalt  }
0x40: {  	_ =	shalt  }
0x41: {  	_ =	shalt  }
0x42: {  	_ =	shalt  }
0x43: {  	_ =	shalt  }
0x44: {  	_ =	shalt  }
0x45: {  	_ =	shalt  }
0x46: {  	_ =	shalt  }
0x47: {  	_ =	shalt  }
0x48: {  	_ =	shalt  }
0x49: {  	_ =	shalt  }
0x4a: {  	_ =	shalt  }
0x4b: {  	_ =	shalt  }
0x4c: {  	_ =	shalt  }
0x4d: {  	_ =	shalt  }
0x4e: {  	_ =	shalt  }
0x4f: {  	_ =	shalt  }
0x50: {  	_ =	shalt  }
0x51: {  	_ =	shalt  }
0x52: {  	_ =	shalt  }
0x53: {  	_ =	shalt  }
0x54: {  	_ =	shalt  }
0x55: {  	_ =	shalt  }
0x56: {  	_ =	shalt  }
0x57: {  	_ =	shalt  }
0x58: {  	_ =	shalt  }
0x59: {  	_ =	shalt  }
0x5a: {  	_ =	shalt  }
0x5b: {  	_ =	shalt  }
0x5c: {  	_ =	shalt  }
0x5d: {  	_ =	shalt  }
0x5e: {  	_ =	shalt  }
0x5f: {  	_ =	shalt  }
0x60: {  	_ =	shalt  }
0x61: {  	_ =	shalt  }
0x62: {  	_ =	shalt  }
0x63: {  	_ =	shalt  }
0x64: {  	_ =	shalt  }
0x65: {  	_ =	shalt  }
0x66: {  	_ =	shalt  }
0x67: {  	_ =	shalt  }
0x68: {  	_ =	shalt  }
0x69: {  	_ =	shalt  }
0x6a: {  	_ =	shalt  }
0x6b: {  	_ =	shalt  }
0x6c: {  	_ =	shalt  }
0x6d: {  	_ =	shalt  }
0x6e: {  	_ =	shalt  }
0x6f: {  	_ =	shalt  }
0x70: {  	_ =	shalt  }
0x71: {  	_ =	shalt  }
0x72: {  	_ =	shalt  }
0x73: {  	_ =	shalt  }
0x74: {  	_ =	shalt  }
0x75: {  	_ =	shalt  }
0x76: {  	_ =	shalt  }
0x77: {  	_ =	shalt  }
0x78: {  	_ =	shalt  }
0x79: {  	_ =	shalt  }
0x7a: {  	_ =	shalt  }
0x7b: {  	_ =	shalt  }
0x7c: {  	_ =	shalt  }
0x7d: {  	_ =	shalt  }
0x7e: {  	_ =	shalt  }
0x7f: {  	_ =	shalt  }
0x80: {  	_ =	shalt  }
0x81: {  	_ =	shalt  }
0x82: {  	_ =	shalt  }
0x83: {  	_ =	shalt  }
0x84: {  	_ =	shalt  }
0x85: {  	_ =	shalt  }
0x86: {  	_ =	shalt  }
0x87: {  	_ =	shalt  }
.Lfunc_end0:
.L_simem_size_0:
called_computation.2_lowered:
.L_overlay_start_0:
0x88: {  	s2 =	sld [smem:$0x3FD9]  }
0x89: {  	s3 =	sld [smem:$0x3FFE];
	_ =	sdelay $0x1  }
0x8a: {  	s1 =	srdreg.scid  }
0x8b: {  	s0 =	sand.u32 $0x1, s1  }
0x8c: {  	s17 =	sshll.u32 s0, $0xA;
	s2 =	sadd.s32 s3, s2  }
0x8d: {  	s2 =	sadd.s32 s2, s17  }
0x8e: {  	[smem:$0x3F9F] =	sst s2  }
0x8f: {  	_ = 	snop  }
0x90: {  	s2 =	sld [smem:$0x3FD0];
	(tm) =	ssettm $0x1  }
0x91: {  	s18 =	sld [smem:$0x3FFB];
	_ =	sdelay $0x3  }
0x92: {  	_ =	strace s18  }
0x93: {  	s3 =	sld [smem:$0x3FFC];
	_ =	sdelay $0x3  }
0x94: {  	_ =	strace s3  }
0x95: {  	s3 =	sld [smem:$0x3FFD];
	_ =	sdelay $0x3  }
0x96: {  	_ =	strace s3  }
0x97: {  	_ =	strace $0x8FFFFFFF  }
0x98: {  	s19 =	sld [smem:$0x3FDB];
	_ =	sdelay $0x1  }
0x99: {  	s4 =	simm.s32 $_scs_section_size  }
0x9a: {  	s5 =	simm.s32 $_size__tile_overlayer_lowered;
	s6 =	simm.s32 $_tile_overlayer_lowered  }
0x9b: {  	s22 =	simm.s32 $0x1BFF;
	s21 =	sshll.u32 s6, $0x1;
	s3 =	sadd.s32 s4, s19  }
0x9c: {  	s7 =	simm.s32 $0x0;
	s20 =	sshll.u32 s5, $0x1;
	s5 =	sadd.s32 s21, s3  }
0x9d: {  	[timem:s7], [sflag:s22] =	dma.local [hbm:s5], s20  }
0x9e: {  	_ =	swait.ge [sflag:s22], s20  }
0x9f: {  	s4 =	ssub.s32 $0x0, s20;
	[sflag:s22] =	ssyncset.done $0x0  }
0xa0: {  	[sflag:s22] =	ssyncadd.s32 s4;
	_ =	sdelay $0x1  }
0xa1: {  	s23 =	simm.s32 $0x1B8B  }
0xa2: {  	_ =	swait.ge [sflag:s23], $0x1  }
0xa3: {  	[sflag:s23] =	ssyncset.done $0x0  }
0xa4: {  	s25 =	simm.s32 $0x1B8E;
	s24 =	sld [smem:$0x3FFE];
	[sflag:s23] =	ssyncadd.s32 $0xFFFFFFFF  }
0xa5: {  	s26 =	simm.s32 $execute0_lowered;
	[smem:$0x3FD2] =	sst s25  }
0xa6: {  	s5 =	sshll.u32 s26, $0x1;
	_ =	strace $0x80000049;
	[dreg:$0x1] =	wrdreg $0xFFFFFFFF  }
0xa7: {  	s28 =	simm.s32 $_size_execute0_lowered;
	s3 =	sadd.s32 s3, s5;
	[dreg:$0x0] =	wrdreg $0x0  }
0xa8: {  	s5 =	sshll.u32 s28, $0x1;
	[dreg:$0x2] =	wrdreg s3  }
0xa9: {  	[dreg:$0x3] =	wrdreg s5  }
0xaa: {  	[dreg:$0x4] =	wrdreg $0xC0  }
0xab: {  	_ =	task [dreg:s7], $0x5FFFF  }
0xac: {  	[dreg:$0x1] =	wrdreg $0xFFFFFFFF  }
0xad: {  	[dreg:$0x0] =	wrdreg $0x60  }
0xae: {  	[dreg:$0x2] =	wrdreg s24  }
0xaf: {  	[dreg:$0x3] =	wrdreg s2  }
0xb0: {  	[dreg:$0x4] =	wrdreg $0xA  }
0xb1: {  	_ =	task.clear_ibuf [dreg:s7], $0x5FFFF;
	_ =	strace $0x90000049  }
0xb2: {  	s29 =	simm.s32 $0xA;
	_ =	strace $0x8000004B  }
0xb3: {  	_ =	swait.ge [sflag:s29], $0x1  }
0xb4: {  	[sflag:s29] =	ssyncadd.s32 $0xFFFFFFFF  }
0xb5: {  	_ =	strace $0x9000004B  }
0xb6: {  	_ =	sfence  }
0xb7: {  	s30 =	sld [smem:$0x0];
	_ =	sdelay $0x2  }
0xb8: {  	s31 =	sshll.u32 s1, $0xD;
	s1 =	sshrl.u32 s1, $0x2  }
0xb9: {  	s3 =	sand.u32 $0x4000, s31;
	s1 =	sadd.s32 s1, s30  }
0xba: {  	s0 =	sor.u32 s3, s0;
	s1 =	sshll.u32 s1, $0x11  }
0xbb: {  	s0 =	sor.u32 s1, s0  }
0xbc: {  	s0 =	sadd.s32 $0x8F2B, s0  }
0xbd: {  	[sflag:s0] =	ssyncadd.remote.s32 $0x1  }
0xbe: {  	_ =	sfence.sel $0xFFFF  }
0xbf: {  	[dreg:$0x0] =	wrdreg $0xFFFFFFFF;
	(pc) =	sbr.abs _section_cstart, $3  }
0xc0: {  	[dreg:$0x1] =	wrdreg $0xFFFFFFFF  }
0xc1: {  	_ =	task.clear_ibuf [dreg:s7], $0x2FFFF;
	_ =	strace $0x9FFFFFFF  }
0xc2: {  	(tm) =	ssettm $0x7FFFFFFF  }
0xc3: {  	_ =	shalt  }
tec
execute0_lowered:
.L_overlay_start_1:
0x0: {  	(tag) =	ssettag $0x1  }
0x1: {  	s7 =	rddreg [dreg:$0x0]  }
0x2: {  	s2 =	rddreg [dreg:$0x1]  }
0x3: {  	s0 =	rddreg [dreg:$0x2]  }
0x4: {  	s1 =	srdreg.scid;
	_ =	strace $0x8000004A;
	s4 =	simm.s32 $0x1  }
0x5: {  	s9 =	simm.s32 $0x3;
	s12 =	simm.s32 $0x0;
	s5 =	sshll.u32 s1, $0x4  }
.Ltmp0:
0x6: {  	s1 =	stileid.u32;
	s5 =	sand.u32 $0x10, s5;
	(pc) =	sbr.rel .LBB2_1-.Ltmp0, $4  }
0x7: {  	s10 =	simm.s32 $0x0;
	s3 =	sadd.s32 $0x80400, s7;
	s6 =	sor.u32 s1, s5  }
0x8: {  	[sflag:s4] =	ssyncpa.u1 $0x0;
	s5 =	simm.s32 $0x2;
	s6 =	sshll.u32 s6, $0x7  }
0x9: {  	s7 =	sadd.s32 $0x4FA400, s7;
	[sflag:s5] =	ssyncpa.u1 $0x0;
	s8 =	sadd.s32 $0x80, s6  }
0xa: {  	vm0 =	vmmov $0xff;
	vm1 =	vcmask $0x3F20;
	[sflag:s9] =	ssyncpa.u1 $0x0;
	s9 =	simm.s32 $0x80;
	s11 =	smov.u32 s6  }
.LBB2_9:
0xb: {  	p0 =	seq.s32 s10, $0x2  }
.Ltmp1:
0xc: {  	_ = 	snop;
	(pc) =	sbr.rel @p0 .LBB2_11-.Ltmp1, $1  }
0xd: {  	_ =	sdelay $0x3  }
.LBB2_10:
0xe: {  	s12 =	sadd.s32 $0x80, s11  }
0xf: {  	s13 =	smov.u32 s6;
	p0 =	slt.s32 s12, s8  }
0x10: {  	s13 =	smov.u32 @p0 s12  }
0x11: {  	s10 =	sadd.s32 $0x1, s10;
	s12 =	smov.u32 s11;
	s11 =	smov.u32 s13  }
.LBB2_1:
0x12: {  	p0 =	sne.s32 s10, $0x0  }
.Ltmp2:
0x13: {  	_ = 	snop;
	(pc) =	sbr.rel @!p0 .LBB2_2-.Ltmp2, $1  }
0x14: {  	_ =	sdelay $0x3  }
0x15: {  	s13 =	sand.u32 $0x1, s10  }
0x16: {  	p0 =	seq.s32 s13, $0x0  }
.Ltmp3:
0x17: {  	_ = 	snop;
	(pc) =	sbr.rel @p0 .LBB2_9-.Ltmp3, $1  }
0x18: {  	_ =	sdelay $0x3  }
0x19: {  	_ =	swait.ge [sflag:s5], $0x80  }
0x1a: {  	[sflag:s5] =	ssyncset.done $0x0  }
0x1b: {  	s13 =	simm.s32 $0x0;
	[sflag:s5] =	ssyncadd.s32 $0xFFFFFF80  }
0x1c: {  	v0 =	vld.msk [tilespmem:s13+$0x80 ss:$0x1], $0xffff;
	_ =	sdelay $0x4  }
0x1d: {  	v1 =	vshll.u32 v0, $0x3  }
0x1e: {  	vm2 =	veq.s32 v0, $0x80000000;
	v0 =	vshll.u32 v0, $0x11;
	v1 =	vand.u32 $0x1FF80, v1  }
0x1f: {  	v0 =	vand.u32 $0x1E0000, v0;
	v1 =	vsel vm2, $0xFFFFFF80, v1  }
0x20: {  	v0 =	vsel vm2, $0xFFFE0000, v0;
	v2 =	vand.u32 $0xFFFFFC00, v1  }
0x21: {  	v1 =	vand.u32 $0x380, v1;
	v0 =	vadd.s32 v0, v2  }
0x22: {  	v0 =	vor.u32 v1, v0  }
0x23: {  	v0 =	vshrl.u32 v0, $0x3;
	_ =	sdelay $0x3  }
0x24: {  	s13 =	simm.s32 $0x4100  }
0x25: {  	[tilespmem:s13], [sflag:$0x1] =	stream.indirect_vreg.gather [hbm:s3], $0x80, v0, vm0, $0x38;
	[tilespmem:$0x8100] =	vst v63  }
0x26: {  	s14 =	simm.s32 $0x4500;
	s31 =	simm.s32 $0x10  }
0x27: {  	[tilespmem:s14], [sflag:$0x1] =	stream.indirect_vreg.gather [hbm:s3], $0x80, v0, vm1, $0x38;
	[tilespmem:$0x8100] =	vst v63  }
0x28: {  	s14 =	simm.s32 $0x80;
	v0 =	vld.msk [tilespmem:s31+$0x80 ss:$0x1], $0xffff  }
.LBB2_5:
0x29: {  	p0 =	sne.s32 s14, $0x1C0;
	_ =	sdelay $0x4  }
0x2a: {  	v1 =	vshll.u32 v0, $0x3  }
0x2b: {  	vm2 =	veq.s32 v0, $0x80000000;
	v0 =	vshll.u32 v0, $0x11;
	v1 =	vand.u32 $0x1FF80, v1  }
0x2c: {  	v0 =	vand.u32 $0x1E0000, v0;
	v1 =	vsel vm2, $0xFFFFFF80, v1  }
0x2d: {  	v0 =	vsel vm2, $0xFFFE0000, v0;
	v2 =	vand.u32 $0xFFFFFC00, v1  }
0x2e: {  	v1 =	vand.u32 $0x380, v1;
	v0 =	vadd.s32 v0, v2  }
0x2f: {  	v0 =	vor.u32 v1, v0  }
0x30: {  	v0 =	vshrl.u32 v0, $0x3;
	_ =	sdelay $0x3  }
.Ltmp4:
0x31: {  	s13 =	sadd.s32 $0x800, s13;
	(pc) =	sbr.rel @p0 .LBB2_5-.Ltmp4, $4  }
0x32: {  	[tilespmem:s13], [sflag:$0x1] =	stream.indirect_vreg.gather [hbm:s3], $0x80, v0, vm0, $0x38;
	[tilespmem:$0x8100] =	vst v63  }
0x33: {  	s15 =	sshra.s32 s14, $0x2;
	s16 =	sadd.s32 $0x400, s13  }
0x34: {  	[tilespmem:s16], [sflag:$0x1] =	stream.indirect_vreg.gather [hbm:s3], $0x80, v0, vm1, $0x38;
	[tilespmem:$0x8100] =	vst v63  }
0x35: {  	s14 =	sadd.s32 $0x40, s14;
	v0 =	vld.msk [tilespmem:s15+$0x80 ss:$0x1], $0xffff  }
0x36: {  	_ =	sdelay $0x3  }
0x37: {  	v1 =	vshll.u32 v0, $0x3  }
0x38: {  	vm2 =	veq.s32 v0, $0x80000000;
	v63 =	vshll.u32 v0, $0x11;
	v1 =	vand.u32 $0x1FF80, v1  }
0x39: {  	v0 =	vand.u32 $0x1E0000, v63;
	v1 =	vsel vm2, $0xFFFFFF80, v1  }
0x3a: {  	v0 =	vsel vm2, $0xFFFE0000, v0;
	v2 =	vand.u32 $0xFFFFFC00, v1  }
0x3b: {  	v1 =	vand.u32 $0x380, v1;
	v0 =	vadd.s32 v0, v2  }
0x3c: {  	v0 =	vor.u32 v1, v0  }
0x3d: {  	v0 =	vshrl.u32 v0, $0x3;
	_ =	sdelay $0x3  }
0x3e: {  	s13 =	sadd.s32 $0x800, s13  }
0x3f: {  	[tilespmem:s13], [sflag:$0x1] =	stream.indirect_vreg.gather [hbm:s3], $0x80, v0, vm0, $0x38;
	[tilespmem:$0x8100] =	vst v63  }
0x40: {  	s13 =	sadd.s32 $0x400, s13  }
0x41: {  	[tilespmem:s13], [sflag:$0x1] =	stream.indirect_vreg.gather [hbm:s3], $0x80, v0, vm1, $0x38;
	[tilespmem:$0x8100] =	vst v63  }
0x42: {  	s12 =	sshll.u32 s12, $0x4;
	s14 =	simm.s32 $0x80;
	_ =	swait.ge [sflag:s4], $0x4000  }
0x43: {  	s15 =	simm.s32 $0x4500;
	s12 =	sadd.s32 s12, s7;
	[sflag:s4] =	ssyncset.done $0x0  }
0x44: {  	s16 =	sadd.s32 $0x0, s12;
	s13 =	simm.s32 $0x4100;
	[sflag:s4] =	ssyncadd.s32 $0xFFFFC000  }
.LBB2_7:
0x45: {  	[hbm:s16] =	stream.linear.scatter [tilespmem:s13], [sflag:$0x3], $0x400, $0x38;
	[tilespmem:$0x8100] =	vst v63  }
0x46: {  	s16 =	smov.u32 s14;
	s13 =	smov.u32 s15;
	p0 =	sne.s32 s14, $0x780  }
.Ltmp5:
0x47: {  	s14 =	sadd.s32 $0x80, s14;
	(pc) =	sbr.rel @p0 .LBB2_7-.Ltmp5, $2  }
0x48: {  	_ =	sdelay $0x2  }
0x49: {  	s15 =	sadd.s32 $0x400, s15;
	s16 =	sadd.s32 s16, s12  }
.Ltmp6:
0x4a: {  	(pc) =	sbr.rel .LBB2_9-.Ltmp6, $2  }
0x4b: {  	_ =	sdelay $0x2  }
0x4c: {  	[hbm:s16] =	stream.linear.scatter [tilespmem:s13], [sflag:$0x3], $0x400, $0x38;
	[tilespmem:$0x8100] =	vst v63  }
.LBB2_2:
.Ltmp7:
0x4d: {  	(pc) =	sbr.rel .LBB2_10-.Ltmp7, $4  }
0x4e: {  	_ = 	snop  }
0x4f: {  	s12 =	sshrl.u32 s11, $0x3  }
0x50: {  	s13 =	sand.u32 $0x7, s11;
	s12 =	sadd.s32 s2, s12  }
0x51: {  	[tilespmem:s9], [sflag:$0x2] =	stream.linear.gather [hbm4b:s12+s13], $0x80, $0x38;
	[tilespmem:$0x8100] =	vst v63  }
.LBB2_11:
0x52: {  	s2 =	simm.s32 $0x3  }
0x53: {  	_ =	swait.ge [sflag:s2], $0x4000  }
0x54: {  	[sflag:s2] =	ssyncset.done $0x0  }
0x55: {  	[sflag:s2] =	ssyncadd.s32 $0xFFFFC000  }
0x56: {  	_ =	sfence.sel $0x180000  }
0x57: {  	s3 =	simm.s32 $0x2;
	[bflag:$0x0] =	sbarrier.arrive $0xFFFF  }
0x58: {  	[sflag:s3] =	ssyncpa.u1 $0x1  }
0x59: {  	s31 =	simm.s32 $0x1;
	[sflag:s2] =	ssyncpa.u1 $0x1  }
0x5a: {  	[sflag:s31] =	ssyncpa.u1 $0x1  }
0x5b: {  	p0 =	sne.s32 s1, $0x0;
	_ =	strace $0x9000004A  }
0x5c: {  	s0 =	sadd.s32 @!p0 $0x100000, s0;
	[bflag:$0x2] =	sbarrier.arrive $0xFFFF  }
0x5d: {  	[sflag:s0] =	ssyncadd.tile.s32 @!p0 $0x1;
	_ =	shalt  }
.Lfunc_end2:
_tile_overlayer_lowered:
.L_overlay_start_2:
0x5e: {  	(tag) =	ssettag $0x2  }
0x5f: {  	s0 =	rddreg [dreg:$0x0];
	s2 =	stileid.u32  }
0x60: {  	s1 =	rddreg [dreg:$0x1];
	p0 =	sne.s32 s2, $0x0  }
0x61: {  	s3 =	rddreg [dreg:$0x2];
	[bflag:$0x3] =	sbarrier.arrive $0xFFFF;
	s2 =	simm.s32 @!p0 $0x1C01  }
0x62: {  	[timem:s3], [sflag:s2] =	dma.local @!p0 [hbm:s0], s1  }
0x63: {  	s0 =	simm.s32 @!p0 $0x1  }
0x64: {  	_ =	swait.ge @!p0 [sflag:s0], s1  }
0x65: {  	s1 =	ssub.s32 @!p0 $0x0, s1;
	[sflag:s0] =	ssyncset.done @!p0 $0x0  }
0x66: {  	[sflag:s0] =	ssyncadd.s32 @!p0 s1  }
0x67: {  	[bflag:$0x3] =	sbarrier.arrive $0xFFFF  }
0x68: {  	_ =	shalt  }

// kernel: gather_offload_async_start
scs
__scs_entry_jumppad:
0x0: {  	(pc) =	sbr.rel $0x88, $3  }
0x1: {  	(tag) =	ssettag $0x0;
	lr =	simm.s32 $0x1  }
0x2: {  	[smem:$0x3F78] =	sst lr;
	_ =	strace $0xD0000000  }
0x3: {  	_ = 	snop  }
0x4: {  	_ = 	snop  }
0x5: {  	_ = 	snop  }
0x6: {  	_ = 	snop  }
0x7: {  	_ = 	snop  }
__scs_overlays_trampoline_lowered:
0x8: {  	[smem:$0x3F87] =	sst s0  }
0x9: {  	[smem:$0x3F88] =	sst s1  }
0xa: {  	[smem:$0x3F89] =	sst s2  }
0xb: {  	[smem:$0x3F8A] =	sst s3  }
0xc: {  	[smem:$0x3F8B] =	sst s4  }
0xd: {  	[smem:$0x3F8C] =	sst s5  }
0xe: {  	[smem:$0x3F8D] =	sst s6  }
0xf: {  	[smem:$0x3F8E] =	sst s7  }
0x10: {  	[smem:$0x3F8F] =	sst s8  }
0x11: {  	[smem:$0x3F90] =	sst s9;
	s0 =	simm.s32 @!p0 $0x0  }
0x12: {  	s1 =	sld [smem:$0x3F76];
	s0 =	simm.s32 @p0 $0x1  }
0x13: {  	[smem:$0x3F91] =	sst s0;
	s0 =	simm.s32 @!p1 $0x0  }
0x14: {  	s2 =	sld [smem:$0x3F75];
	s0 =	simm.s32 @p1 $0x1  }
0x15: {  	[smem:$0x3F92] =	sst s0;
	s0 =	simm.s32 @!p2 $0x0  }
0x16: {  	s3 =	sld [smem:$0x3FDB];
	s0 =	simm.s32 @p2 $0x1  }
0x17: {  	s4 =	simm.s32 $0x1BF5;
	[smem:$0x3F94] =	sst s0  }
0x18: {  	s0 =	sld [smem:$0x3F77];
	_ =	swait.ge [sflag:s4], $0x0  }
0x19: {  	s7 =	sld [smem:$0x3F78]  }
0x1a: {  	s8 =	sadd.s32 $0xFFFFE003, lr  }
0x1b: {  	s9 =	sadd.s32 $0xFFFFFEF7, lr;
	s5 =	simm.s32 $0xFFFFFFFF;
	p2 =	slt.u32 s8, $0xFFFFF086  }
0x1c: {  	p1 =	slt.u32 s9, $0xF7A;
	s5 =	simm.s32 @!p2 $0x0  }
0x1d: {  	s5 =	simm.s32 @p1 $0x1;
	p0 =	seq.s32 s7, s2  }
0x1e: {  	s7 =	smul.u32 @!p0 $0xF7A, s2;
	p2 =	seq.s32 @!p0 s5, $0x0  }
0x1f: {  	s9 =	smul.u32 $0xF7A, s1;
	s8 =	simm.s32 @!p0 $0x1BF5;
	p2 =	por !p2, p0  }
0x20: {  	[sflag:s8] =	ssyncset.s32 @!p0 $0xFFFFF086;
	s6 =	sadd.s32 @!p0 s3, s7;
	s7 =	simm.s32 @!p0 $0x108  }
0x21: {  	s3 =	sadd.s32 s3, s9;
	s6 =	sadd.s32 @!p0 $0x88, s6;
	s7 =	simm.s32 @p2 $0x1082  }
0x22: {  	[simem:s7], [sflag:s8] =	dma.local @!p0 [hbm:s6], $0xF7A  }
0x23: {  	s9 =	sor.u32 $0xD0000000, s2;
	s6 =	simm.s32 $0x108;
	_ =	swait.ge @!p0 [sflag:s8], $0x0  }
0x24: {  	s3 =	sadd.s32 $0x88, s3;
	s6 =	simm.s32 @!p1 $0x1082;
	[sflag:s4] =	ssyncset.s32 $0xFFFFF086  }
0x25: {  	[simem:s6], [sflag:s4] =	dma.local [hbm:s3], $0xF7A  }
0x26: {  	[smem:$0x3F78] =	sst s1;
	(tag) =	ssettag s2;
	_ =	strace s9  }
0x27: {  	s1 =	sld [smem:$0x3F88]  }
0x28: {  	s2 =	sld [smem:$0x3F89]  }
0x29: {  	s4 =	sld [smem:$0x3F8B]  }
0x2a: {  	p0 =	seq.s32 s5, $0x0;
	s5 =	sld [smem:$0x3F8C]  }
0x2b: {  	s6 =	sld [smem:$0x3F8D]  }
0x2c: {  	s7 =	sld [smem:$0x3F8E]  }
0x2d: {  	s3 =	simm.s32 $0x108;
	s8 =	sld [smem:$0x3F8F]  }
0x2e: {  	s3 =	simm.s32 @!p0 $0x1082;
	s9 =	sld [smem:$0x3F90]  }
0x2f: {  	lr =	sadd.s32 s0, s3;
	s0 =	sld [smem:$0x3F87]  }
0x30: {  	s3 =	sld [smem:$0x3F8A]  }
0x31: {  	[smem:$0x3F93] =	sst s10  }
0x32: {  	s10 =	sld [smem:$0x3F91];
	_ =	sdelay $0x3  }
0x33: {  	p0 =	seq.s32 s10, $0x1;
	s10 =	sld [smem:$0x3F93];
	_ =	sdelay $0x3  }
0x34: {  	[smem:$0x3F93] =	sst s10  }
0x35: {  	s10 =	sld [smem:$0x3F92];
	_ =	sdelay $0x3  }
0x36: {  	p1 =	seq.s32 s10, $0x1;
	s10 =	sld [smem:$0x3F93];
	_ =	sdelay $0x3  }
0x37: {  	[smem:$0x3F93] =	sst s10  }
0x38: {  	s10 =	sld [smem:$0x3F94]  }
0x39: {  	_ = 	snop;
	(pc) =	sbr.ind lr, $3  }
0x3a: {  	_ = 	snop  }
0x3b: {  	_ = 	snop  }
0x3c: {  	p2 =	seq.s32 s10, $0x1;
	s10 =	sld [smem:$0x3F93]  }
0x3d: {  	_ =	shalt  }
0x3e: {  	_ =	shalt  }
0x3f: {  	_ =	shalt  }
0x40: {  	_ =	shalt  }
0x41: {  	_ =	shalt  }
0x42: {  	_ =	shalt  }
0x43: {  	_ =	shalt  }
0x44: {  	_ =	shalt  }
0x45: {  	_ =	shalt  }
0x46: {  	_ =	shalt  }
0x47: {  	_ =	shalt  }
0x48: {  	_ =	shalt  }
0x49: {  	_ =	shalt  }
0x4a: {  	_ =	shalt  }
0x4b: {  	_ =	shalt  }
0x4c: {  	_ =	shalt  }
0x4d: {  	_ =	shalt  }
0x4e: {  	_ =	shalt  }
0x4f: {  	_ =	shalt  }
0x50: {  	_ =	shalt  }
0x51: {  	_ =	shalt  }
0x52: {  	_ =	shalt  }
0x53: {  	_ =	shalt  }
0x54: {  	_ =	shalt  }
0x55: {  	_ =	shalt  }
0x56: {  	_ =	shalt  }
0x57: {  	_ =	shalt  }
0x58: {  	_ =	shalt  }
0x59: {  	_ =	shalt  }
0x5a: {  	_ =	shalt  }
0x5b: {  	_ =	shalt  }
0x5c: {  	_ =	shalt  }
0x5d: {  	_ =	shalt  }
0x5e: {  	_ =	shalt  }
0x5f: {  	_ =	shalt  }
0x60: {  	_ =	shalt  }
0x61: {  	_ =	shalt  }
0x62: {  	_ =	shalt  }
0x63: {  	_ =	shalt  }
0x64: {  	_ =	shalt  }
0x65: {  	_ =	shalt  }
0x66: {  	_ =	shalt  }
0x67: {  	_ =	shalt  }
0x68: {  	_ =	shalt  }
0x69: {  	_ =	shalt  }
0x6a: {  	_ =	shalt  }
0x6b: {  	_ =	shalt  }
0x6c: {  	_ =	shalt  }
0x6d: {  	_ =	shalt  }
0x6e: {  	_ =	shalt  }
0x6f: {  	_ =	shalt  }
0x70: {  	_ =	shalt  }
0x71: {  	_ =	shalt  }
0x72: {  	_ =	shalt  }
0x73: {  	_ =	shalt  }
0x74: {  	_ =	shalt  }
0x75: {  	_ =	shalt  }
0x76: {  	_ =	shalt  }
0x77: {  	_ =	shalt  }
0x78: {  	_ =	shalt  }
0x79: {  	_ =	shalt  }
0x7a: {  	_ =	shalt  }
0x7b: {  	_ =	shalt  }
0x7c: {  	_ =	shalt  }
0x7d: {  	_ =	shalt  }
0x7e: {  	_ =	shalt  }
0x7f: {  	_ =	shalt  }
0x80: {  	_ =	shalt  }
0x81: {  	_ =	shalt  }
0x82: {  	_ =	shalt  }
0x83: {  	_ =	shalt  }
0x84: {  	_ =	shalt  }
0x85: {  	_ =	shalt  }
0x86: {  	_ =	shalt  }
0x87: {  	_ =	shalt  }
.Lfunc_end0:
.L_simem_size_0:
called_computation.1_lowered:
.L_overlay_start_0:
0x88: {  	s2 =	sld [smem:$0x3FD9]  }
0x89: {  	s3 =	sld [smem:$0x3FFE];
	_ =	sdelay $0x1  }
0x8a: {  	s1 =	srdreg.scid  }
0x8b: {  	s0 =	sand.u32 $0x1, s1  }
0x8c: {  	s17 =	sshll.u32 s0, $0xA;
	s2 =	sadd.s32 s3, s2  }
0x8d: {  	s2 =	sadd.s32 s2, s17  }
0x8e: {  	[smem:$0x3F9F] =	sst s2  }
0x8f: {  	_ = 	snop  }
0x90: {  	s2 =	sld [smem:$0x3FD0];
	(tm) =	ssettm $0x1  }
0x91: {  	s18 =	sld [smem:$0x3FFB];
	_ =	sdelay $0x3  }
0x92: {  	_ =	strace s18  }
0x93: {  	s3 =	sld [smem:$0x3FFC];
	_ =	sdelay $0x3  }
0x94: {  	_ =	strace s3  }
0x95: {  	s3 =	sld [smem:$0x3FFD];
	_ =	sdelay $0x3  }
0x96: {  	_ =	strace s3  }
0x97: {  	_ =	strace $0x8FFFFFFF  }
0x98: {  	s19 =	sld [smem:$0x3FDB];
	_ =	sdelay $0x1  }
0x99: {  	s4 =	simm.s32 $_scs_section_size  }
0x9a: {  	s5 =	simm.s32 $_size__tile_overlayer_lowered;
	s6 =	simm.s32 $_tile_overlayer_lowered  }
0x9b: {  	s22 =	simm.s32 $0x1BFF;
	s21 =	sshll.u32 s6, $0x1;
	s3 =	sadd.s32 s4, s19  }
0x9c: {  	s7 =	simm.s32 $0x0;
	s20 =	sshll.u32 s5, $0x1;
	s5 =	sadd.s32 s21, s3  }
0x9d: {  	[timem:s7], [sflag:s22] =	dma.local [hbm:s5], s20  }
0x9e: {  	_ =	swait.ge [sflag:s22], s20  }
0x9f: {  	s4 =	ssub.s32 $0x0, s20;
	[sflag:s22] =	ssyncset.done $0x0  }
0xa0: {  	[sflag:s22] =	ssyncadd.s32 s4;
	_ =	sdelay $0x1  }
0xa1: {  	s23 =	simm.s32 $0x1B8B  }
0xa2: {  	_ =	swait.ge [sflag:s23], $0x1  }
0xa3: {  	[sflag:s23] =	ssyncset.done $0x0  }
0xa4: {  	s25 =	simm.s32 $0x1B8E;
	s24 =	sld [smem:$0x3FFE];
	[sflag:s23] =	ssyncadd.s32 $0xFFFFFFFF  }
0xa5: {  	s26 =	simm.s32 $execute0_lowered;
	[smem:$0x3FD2] =	sst s25  }
0xa6: {  	s5 =	sshll.u32 s26, $0x1;
	_ =	strace $0x80000046;
	[dreg:$0x1] =	wrdreg $0xFFFFFFFF  }
0xa7: {  	s28 =	simm.s32 $_size_execute0_lowered;
	s3 =	sadd.s32 s3, s5;
	[dreg:$0x0] =	wrdreg $0x0  }
0xa8: {  	s5 =	sshll.u32 s28, $0x1;
	[dreg:$0x2] =	wrdreg s3  }
0xa9: {  	[dreg:$0x3] =	wrdreg s5  }
0xaa: {  	[dreg:$0x4] =	wrdreg $0xC0  }
0xab: {  	_ =	task [dreg:s7], $0x5FFFF  }
0xac: {  	[dreg:$0x1] =	wrdreg $0xFFFFFFFF  }
0xad: {  	[dreg:$0x0] =	wrdreg $0x60  }
0xae: {  	[dreg:$0x2] =	wrdreg s24  }
0xaf: {  	[dreg:$0x3] =	wrdreg s2  }
0xb0: {  	[dreg:$0x4] =	wrdreg $0x9  }
0xb1: {  	_ =	task.clear_ibuf [dreg:s7], $0x5FFFF;
	_ =	strace $0x90000046  }
0xb2: {  	s29 =	simm.s32 $0x9;
	_ =	strace $0x80000048  }
0xb3: {  	_ =	swait.ge [sflag:s29], $0x1  }
0xb4: {  	[sflag:s29] =	ssyncadd.s32 $0xFFFFFFFF  }
0xb5: {  	_ =	strace $0x90000048  }
0xb6: {  	_ =	sfence  }
0xb7: {  	s30 =	sld [smem:$0x0];
	_ =	sdelay $0x2  }
0xb8: {  	s31 =	sshll.u32 s1, $0xD;
	s1 =	sshrl.u32 s1, $0x2  }
0xb9: {  	s3 =	sand.u32 $0x4000, s31;
	s1 =	sadd.s32 s1, s30  }
0xba: {  	s0 =	sor.u32 s3, s0;
	s1 =	sshll.u32 s1, $0x11  }
0xbb: {  	s0 =	sor.u32 s1, s0  }
0xbc: {  	s0 =	sadd.s32 $0x8F2B, s0  }
0xbd: {  	[sflag:s0] =	ssyncadd.remote.s32 $0x1  }
0xbe: {  	_ =	sfence.sel $0xFFFF  }
0xbf: {  	[dreg:$0x0] =	wrdreg $0xFFFFFFFF;
	(pc) =	sbr.abs _section_cstart, $3  }
0xc0: {  	[dreg:$0x1] =	wrdreg $0xFFFFFFFF  }
0xc1: {  	_ =	task.clear_ibuf [dreg:s7], $0x2FFFF;
	_ =	strace $0x9FFFFFFF  }
0xc2: {  	(tm) =	ssettm $0x7FFFFFFF  }
0xc3: {  	_ =	shalt  }
tec
execute0_lowered:
.L_overlay_start_1:
0x0: {  	(tag) =	ssettag $0x1  }
0x1: {  	s7 =	rddreg [dreg:$0x0]  }
0x2: {  	s2 =	rddreg [dreg:$0x1]  }
0x3: {  	s0 =	rddreg [dreg:$0x2]  }
0x4: {  	s1 =	srdreg.scid;
	_ =	strace $0x80000047;
	s4 =	simm.s32 $0x1  }
0x5: {  	s9 =	simm.s32 $0x3;
	s11 =	simm.s32 $0x0;
	s5 =	sshll.u32 s1, $0x4  }
.Ltmp0:
0x6: {  	s1 =	stileid.u32;
	s5 =	sand.u32 $0x10, s5;
	(pc) =	sbr.rel .LBB2_1-.Ltmp0, $4  }
0x7: {  	p0 =	por $0x0, $0x0;
	s3 =	sadd.s32 $0x400, s7;
	s6 =	sor.u32 s1, s5  }
0x8: {  	[sflag:s4] =	ssyncpa.u1 $0x0;
	s5 =	simm.s32 $0x2;
	s6 =	sshll.u32 s6, $0x9  }
0x9: {  	s7 =	sadd.s32 $0x80400, s7;
	[sflag:s5] =	ssyncpa.u1 $0x0;
	s8 =	sadd.s32 $0x200, s6  }
0xa: {  	vm0 =	vmmov $0xff;
	vm1 =	vcmask $0x3F20;
	[sflag:s9] =	ssyncpa.u1 $0x0;
	s10 =	smov.u32 s6;
	s9 =	simm.s32 $0x0  }
.LBB2_7:
0xb: {  	p1 =	slt.u32 s9, $0x2;
	s11 =	sadd.s32 $0x100, s10  }
0xc: {  	s13 =	smov.u32 s6;
	s9 =	sadd.s32 $0x1, s9;
	p2 =	slt.s32 s11, s8  }
0xd: {  	s13 =	smov.u32 @p2 s11;
	p2 =	sne.s32 s9, $0x4  }
.Ltmp1:
0xe: {  	_ = 	snop;
	(pc) =	sbr.rel @!p2 .LBB2_8-.Ltmp1, $4  }
0xf: {  	s12 =	simm.s32 @!p1 $0x3  }
0x10: {  	_ =	swait.ge @!p1 [sflag:s12], $0x8000  }
0x11: {  	p0 =	por !p0, !p0;
	[sflag:s12] =	ssyncset.done @!p1 $0x0  }
0x12: {  	s11 =	smov.u32 s10;
	s10 =	smov.u32 s13;
	[sflag:s12] =	ssyncadd.s32 @!p1 $0xFFFF8000  }
.LBB2_1:
0x13: {  	p1 =	sgt.u32 s9, $0x1  }
0x14: {  	s12 =	sshll.u32 @!p1 s9, $0x8;
	s13 =	sshrl.u32 @!p1 s10, $0x3  }
0x15: {  	s14 =	sand.u32 @!p1 $0x7, s10;
	s12 =	sxor.u32 @!p1 $0x100, s12;
	s13 =	sadd.s32 @!p1 s2, s13  }
0x16: {  	[tilespmem:s12], [sflag:$0x2] =	stream.linear.gather @!p1 [hbm4b:s13+s14], $0x100, $0x38;
	[tilespmem:$0x10200] =	vst v63  }
0x17: {  	p1 =	seq.s32 s9, $0x0  }
0x18: {  	p2 =	seq.s32 @!p1 s9, $0x3  }
0x19: {  	p1 =	por p1, p2  }
.Ltmp2:
0x1a: {  	_ = 	snop;
	(pc) =	sbr.rel @p1 .LBB2_7-.Ltmp2, $1  }
0x1b: {  	_ =	sdelay $0x3  }
0x1c: {  	s12 =	simm.s32 $0x1  }
0x1d: {  	_ =	swait.ge [sflag:s5], $0x100;
	s12 =	simm.s32 @!p0 $0x0  }
0x1e: {  	[sflag:s5] =	ssyncset.done $0x0;
	s14 =	sshll.u32 s12, $0x8  }
0x1f: {  	[sflag:s5] =	ssyncadd.s32 $0xFFFFFF00;
	s13 =	sadd.s32 $0x0, s14  }
0x20: {  	v0 =	vld.msk [tilespmem:s13+$0x0 ss:$0x1], $0xffff;
	_ =	sdelay $0x4  }
0x21: {  	v1 =	vshll.u32 v0, $0x3  }
0x22: {  	vm2 =	veq.s32 v0, $0x80000000;
	v0 =	vshll.u32 v0, $0x12;
	v1 =	vand.u32 $0x3FF80, v1  }
0x23: {  	v0 =	vand.u32 $0x3C0000, v0;
	v1 =	vsel vm2, $0xFFFFFF80, v1  }
0x24: {  	v0 =	vsel vm2, $0xFFFC0000, v0;
	v2 =	vand.u32 $0xFFFFFC00, v1  }
0x25: {  	v1 =	vand.u32 $0x380, v1;
	v0 =	vadd.s32 v0, v2  }
0x26: {  	v0 =	vor.u32 v1, v0  }
0x27: {  	v0 =	vshrl.u32 v0, $0x3;
	_ =	sdelay $0x2  }
0x28: {  	s12 =	sshll.u32 s12, $0xF  }
0x29: {  	s12 =	sor.u32 $0x200, s12  }
0x2a: {  	[tilespmem:s12], [sflag:$0x1] =	stream.indirect_vreg.gather [hbm:s3], $0x80, v0, vm0, $0x38;
	[tilespmem:$0x10200] =	vst v63  }
0x2b: {  	s15 =	sadd.s32 $0x10, s14;
	s13 =	sadd.s32 $0x400, s12  }
0x2c: {  	[tilespmem:s13], [sflag:$0x1] =	stream.indirect_vreg.gather [hbm:s3], $0x80, v0, vm1, $0x38;
	[tilespmem:$0x10200] =	vst v63  }
0x2d: {  	s16 =	simm.s32 $0x80;
	v0 =	vld.msk [tilespmem:s15+$0x0 ss:$0x1], $0xffff;
	s15 =	smov.u32 s12  }
.LBB2_3:
0x2e: {  	p1 =	sne.s32 s16, $0x3C0;
	_ =	sdelay $0x4  }
0x2f: {  	v1 =	vshll.u32 v0, $0x3  }
0x30: {  	vm2 =	veq.s32 v0, $0x80000000;
	v0 =	vshll.u32 v0, $0x12;
	v1 =	vand.u32 $0x3FF80, v1  }
0x31: {  	v0 =	vand.u32 $0x3C0000, v0;
	v1 =	vsel vm2, $0xFFFFFF80, v1  }
0x32: {  	v0 =	vsel vm2, $0xFFFC0000, v0;
	v2 =	vand.u32 $0xFFFFFC00, v1  }
0x33: {  	v1 =	vand.u32 $0x380, v1;
	v0 =	vadd.s32 v0, v2  }
0x34: {  	v0 =	vor.u32 v1, v0  }
0x35: {  	v0 =	vshrl.u32 v0, $0x3;
	_ =	sdelay $0x3  }
.Ltmp3:
0x36: {  	s17 =	sshra.s32 s16, $0x2;
	s15 =	sadd.s32 $0x800, s15;
	(pc) =	sbr.rel @p1 .LBB2_3-.Ltmp3, $4  }
0x37: {  	[tilespmem:s15], [sflag:$0x1] =	stream.indirect_vreg.gather [hbm:s3], $0x80, v0, vm0, $0x38;
	[tilespmem:$0x10200] =	vst v63  }
0x38: {  	s17 =	sadd.s32 s17, s14;
	s18 =	sadd.s32 $0x400, s15  }
0x39: {  	[tilespmem:s18], [sflag:$0x1] =	stream.indirect_vreg.gather [hbm:s3], $0x80, v0, vm1, $0x38;
	[tilespmem:$0x10200] =	vst v63  }
0x3a: {  	s16 =	sadd.s32 $0x40, s16;
	v0 =	vld.msk [tilespmem:s17+$0x0 ss:$0x1], $0xffff  }
0x3b: {  	_ =	sdelay $0x3  }
0x3c: {  	v1 =	vshll.u32 v0, $0x3  }
0x3d: {  	vm2 =	veq.s32 v0, $0x80000000;
	v63 =	vshll.u32 v0, $0x12;
	v1 =	vand.u32 $0x3FF80, v1  }
0x3e: {  	v0 =	vand.u32 $0x3C0000, v63;
	v1 =	vsel vm2, $0xFFFFFF80, v1  }
0x3f: {  	v0 =	vsel vm2, $0xFFFC0000, v0;
	v2 =	vand.u32 $0xFFFFFC00, v1  }
0x40: {  	v1 =	vand.u32 $0x380, v1;
	v0 =	vadd.s32 v0, v2  }
0x41: {  	v0 =	vor.u32 v1, v0  }
0x42: {  	v0 =	vshrl.u32 v0, $0x3;
	_ =	sdelay $0x3  }
0x43: {  	s14 =	sadd.s32 $0x800, s15  }
0x44: {  	[tilespmem:s14], [sflag:$0x1] =	stream.indirect_vreg.gather [hbm:s3], $0x80, v0, vm0, $0x38;
	[tilespmem:$0x10200] =	vst v63  }
0x45: {  	s14 =	sadd.s32 $0x400, s14  }
0x46: {  	[tilespmem:s14], [sflag:$0x1] =	stream.indirect_vreg.gather [hbm:s3], $0x80, v0, vm1, $0x38;
	[tilespmem:$0x10200] =	vst v63  }
0x47: {  	s11 =	sshll.u32 s11, $0x4;
	_ =	swait.ge [sflag:s4], $0x8000  }
0x48: {  	s11 =	sadd.s32 s11, s7;
	[sflag:s4] =	ssyncset.done $0x0  }
0x49: {  	s15 =	sadd.s32 $0x0, s11;
	s14 =	simm.s32 $0x80;
	[sflag:s4] =	ssyncadd.s32 $0xFFFF8000  }
.LBB2_5:
0x4a: {  	[hbm:s15] =	stream.linear.scatter [tilespmem:s12], [sflag:$0x3], $0x400, $0x38;
	[tilespmem:$0x10200] =	vst v63  }
0x4b: {  	s15 =	smov.u32 s14;
	s12 =	smov.u32 s13;
	p1 =	sne.s32 s14, $0xF80  }
.Ltmp4:
0x4c: {  	s14 =	sadd.s32 $0x80, s14;
	(pc) =	sbr.rel @p1 .LBB2_5-.Ltmp4, $2  }
0x4d: {  	_ =	sdelay $0x2  }
0x4e: {  	s13 =	sadd.s32 $0x400, s13;
	s15 =	sadd.s32 s15, s11  }
.Ltmp5:
0x4f: {  	(pc) =	sbr.rel .LBB2_7-.Ltmp5, $2  }
0x50: {  	_ =	sdelay $0x2  }
0x51: {  	[hbm:s15] =	stream.linear.scatter [tilespmem:s12], [sflag:$0x3], $0x400, $0x38;
	[tilespmem:$0x10200] =	vst v63  }
.LBB2_8:
0x52: {  	_ =	sfence.sel $0x180000  }
0x53: {  	s2 =	simm.s32 $0x2;
	[bflag:$0x0] =	sbarrier.arrive $0xFFFF  }
0x54: {  	s30 =	simm.s32 $0x3;
	[sflag:s2] =	ssyncpa.u1 $0x1  }
0x55: {  	s31 =	simm.s32 $0x1;
	[sflag:s30] =	ssyncpa.u1 $0x1  }
0x56: {  	[sflag:s31] =	ssyncpa.u1 $0x1  }
0x57: {  	p0 =	sne.s32 s1, $0x0;
	_ =	strace $0x90000047  }
0x58: {  	s0 =	sadd.s32 @!p0 $0x100000, s0;
	[bflag:$0x2] =	sbarrier.arrive $0xFFFF  }
0x59: {  	[sflag:s0] =	ssyncadd.tile.s32 @!p0 $0x1;
	_ =	shalt  }
.Lfunc_end2:
_tile_overlayer_lowered:
.L_overlay_start_2:
0x5a: {  	(tag) =	ssettag $0x2  }
0x5b: {  	s0 =	rddreg [dreg:$0x0];
	s2 =	stileid.u32  }
0x5c: {  	s1 =	rddreg [dreg:$0x1];
	p0 =	sne.s32 s2, $0x0  }
0x5d: {  	s3 =	rddreg [dreg:$0x2];
	[bflag:$0x3] =	sbarrier.arrive $0xFFFF;
	s2 =	simm.s32 @!p0 $0x1C01  }
0x5e: {  	[timem:s3], [sflag:s2] =	dma.local @!p0 [hbm:s0], s1  }
0x5f: {  	s0 =	simm.s32 @!p0 $0x1  }
0x60: {  	_ =	swait.ge @!p0 [sflag:s0], s1  }
0x61: {  	s1 =	ssub.s32 @!p0 $0x0, s1;
	[sflag:s0] =	ssyncset.done @!p0 $0x0  }
0x62: {  	[sflag:s0] =	ssyncadd.s32 @!p0 s1  }
0x63: {  	[bflag:$0x3] =	sbarrier.arrive $0xFFFF  }
0x64: {  	_ =	shalt  }

// kernel: sparse-core-data-format-call.cloned.1.call-start
scs
called_computation_lowered:
.L_overlay_start_0:
0x0: {  	s2 =	sld [smem:$0x3FD9]  }
0x1: {  	s3 =	sld [smem:$0x3FFE];
	_ =	sdelay $0x1  }
0x2: {  	s1 =	srdreg.scid  }
0x3: {  	s0 =	sand.u32 $0x1, s1  }
0x4: {  	s18 =	sshll.u32 s0, $0xA;
	s2 =	sadd.s32 s3, s2  }
0x5: {  	s2 =	sadd.s32 s2, s18  }
0x6: {  	[smem:$0x3F9F] =	sst s2  }
0x7: {  	_ = 	snop  }
0x8: {  	(tm) =	ssettm $0x1  }
0x9: {  	s19 =	sld [smem:$0x3FFB];
	_ =	sdelay $0x3  }
0xa: {  	_ =	strace s19  }
0xb: {  	s2 =	sld [smem:$0x3FFC];
	_ =	sdelay $0x3  }
0xc: {  	_ =	strace s2  }
0xd: {  	s2 =	sld [smem:$0x3FFD];
	_ =	sdelay $0x3  }
0xe: {  	_ =	strace s2  }
0xf: {  	_ =	strace $0x8FFFFFFF  }
0x10: {  	s20 =	sld [smem:$0x3FDB];
	_ =	sdelay $0x1  }
0x11: {  	s21 =	simm.s32 $_scs_section_size  }
0x12: {  	s4 =	simm.s32 $_size__tile_overlayer_lowered;
	s5 =	simm.s32 $_tile_overlayer_lowered  }
0x13: {  	s6 =	simm.s32 $0x1BFF;
	s22 =	sshll.u32 s5, $0x1;
	s3 =	sadd.s32 s21, s20  }
0x14: {  	s23 =	simm.s32 $0x0;
	s4 =	sshll.u32 s4, $0x1;
	s5 =	sadd.s32 s22, s3  }
0x15: {  	[timem:s23], [sflag:s6] =	dma.local [hbm:s5], s4  }
0x16: {  	_ =	swait.ge [sflag:s6], s4  }
0x17: {  	s4 =	ssub.s32 $0x0, s4;
	[sflag:s6] =	ssyncset.done $0x0  }
0x18: {  	[sflag:s6] =	ssyncadd.s32 s4;
	_ =	sdelay $0x1  }
0x19: {  	s24 =	simm.s32 $0x1B8B  }
0x1a: {  	_ =	swait.ge [sflag:s24], $0x1  }
0x1b: {  	[sflag:s24] =	ssyncset.done $0x0  }
0x1c: {  	[sflag:s24] =	ssyncadd.s32 $0xFFFFFFFF  }
0x1d: {  	s4 =	sld [smem:$0x0]  }
0x1e: {  	s5 =	sand.u32 $0xFFFFFFFE, s1  }
0x1f: {  	p0 =	sne.s32 s1, s5  }
0x20: {  	s5 =	sshll.u32 @p0 s5, $0xE  }
0x21: {  	s5 =	sadd.s32 @p0 $0x11B8D, s5;
	s6 =	sshll.u32 @p0 s4, $0x11  }
0x22: {  	s5 =	sor.u32 @p0 s6, s5  }
0x23: {  	[sflag:s5] =	ssyncadd.remote.s32 @p0 $0x1;
	_ =	sdelay $0x1  }
0x24: {  	s5 =	simm.s32 @p0 $0x1B8D  }
0x25: {  	_ =	swait.eq @p0 [sflag:s5], $0x1  }
0x26: {  	[sflag:s5] =	ssyncadd.s32 @p0 $0xFFFFFFFF  }
0x27: {  	s6 =	sshll.u32 @!p0 s1, $0xE  }
0x28: {  	s6 =	sor.u32 @!p0 $0x4000, s6;
	s5 =	simm.s32 @!p0 $0x1B8D  }
0x29: {  	s4 =	sshll.u32 @!p0 s4, $0x11;
	s6 =	sadd.s32 @!p0 $0x11B8D, s6;
	_ =	swait.eq @!p0 [sflag:s5], $0x1  }
0x2a: {  	s4 =	sor.u32 @!p0 s4, s6;
	[sflag:s5] =	ssyncadd.s32 @!p0 $0xFFFFFFFF  }
0x2b: {  	s26 =	simm.s32 $0x1B8E;
	s25 =	sld [smem:$0x3FFE];
	[sflag:s4] =	ssyncadd.remote.s32 @!p0 $0x1  }
0x2c: {  	s27 =	simm.s32 $execute0_lowered;
	[smem:$0x3FD2] =	sst s26  }
0x2d: {  	s5 =	sshll.u32 s27, $0x1;
	_ =	strace $0x8000004C;
	[dreg:$0x1] =	wrdreg $0xFFFFFFFF  }
0x2e: {  	s28 =	simm.s32 $_size_execute0_lowered;
	s3 =	sadd.s32 s3, s5;
	[dreg:$0x0] =	wrdreg $0x0  }
0x2f: {  	s5 =	sshll.u32 s28, $0x1;
	[dreg:$0x2] =	wrdreg s3  }
0x30: {  	[dreg:$0x3] =	wrdreg s5  }
0x31: {  	[dreg:$0x4] =	wrdreg $0xC0  }
0x32: {  	_ =	task [dreg:s23], $0x5FFFF  }
0x33: {  	[dreg:$0x1] =	wrdreg $0xFFFFFFFF  }
0x34: {  	[dreg:$0x0] =	wrdreg $0x60  }
0x35: {  	[dreg:$0x2] =	wrdreg s25  }
0x36: {  	[dreg:$0x3] =	wrdreg $0x9  }
0x37: {  	_ =	task.clear_ibuf [dreg:s23], $0x4FFFF;
	_ =	strace $0x9000004C  }
0x38: {  	s29 =	simm.s32 $0x9;
	_ =	strace $0x8000004E  }
0x39: {  	_ =	swait.ge [sflag:s29], $0x1  }
0x3a: {  	[sflag:s29] =	ssyncadd.s32 $0xFFFFFFFF  }
0x3b: {  	_ =	strace $0x9000004E  }
0x3c: {  	_ =	sfence  }
0x3d: {  	s30 =	sld [smem:$0x0];
	_ =	sdelay $0x2  }
0x3e: {  	s31 =	sshll.u32 s1, $0xD;
	s1 =	sshrl.u32 s1, $0x2  }
0x3f: {  	s4 =	sand.u32 $0x4000, s31;
	s1 =	sadd.s32 s1, s30  }
0x40: {  	s0 =	sor.u32 s4, s0;
	s1 =	sshll.u32 s1, $0x11  }
0x41: {  	s0 =	sor.u32 s1, s0  }
0x42: {  	s0 =	sadd.s32 $0x8F2B, s0  }
0x43: {  	[sflag:s0] =	ssyncadd.remote.s32 $0x1  }
0x44: {  	_ =	sfence.sel $0xFFFF  }
0x45: {  	[dreg:$0x0] =	wrdreg $0xFFFFFFFF;
	(pc) =	sbr.abs _section_cstart, $3  }
0x46: {  	[dreg:$0x1] =	wrdreg $0xFFFFFFFF  }
0x47: {  	_ =	task.clear_ibuf [dreg:s23], $0x2FFFF;
	_ =	strace $0x9FFFFFFF  }
0x48: {  	(tm) =	ssettm $0x7FFFFFFF  }
0x49: {  	_ =	shalt  }
tec
execute0_lowered:
.L_overlay_start_1:
0x0: {  	(tag) =	ssettag $0x1  }
0x1: {  	s0 =	srdreg.scid;
	s3 =	rddreg [dreg:$0x0];
	s5 =	simm.s32 $0x1  }
0x2: {  	s7 =	simm.s32 $0x2;
	s15 =	simm.s32 $0x0;
	p0 =	por $0x0, $0x0  }
0x3: {  	s8 =	simm.s32 $0x2000;
	s13 =	simm.s32 $0x0;
	s1 =	sshll.u32 s0, $0x7  }
0x4: {  	s14 =	simm.s32 $0x0;
	s9 =	simm.s32 $0x0;
	s1 =	sand.u32 $0x80, s1  }
0x5: {  	s0 =	rddreg [dreg:$0x1];
	_ =	strace $0x8000004D;
	s6 =	ssub.s32 $0x400, s1  }
.Ltmp0:
0x6: {  	s2 =	sadd.s32 $0xFA400, s3;
	s31 =	sshrl.u32 s6, $0x7;
	(pc) =	sbr.rel .LBB1_1-.Ltmp0, $4  }
0x7: {  	s4 =	sadd.s32 $0x50A400, s3;
	s6 =	sshrl.u32 s6, $0x8;
	s3 =	sand.u32 $0x1, s31  }
0x8: {  	s11 =	stileid.u32;
	[sflag:s5] =	ssyncpa.u1 $0x0;
	s6 =	sadd.s32 s6, s3  }
0x9: {  	s12 =	simm.s32 $0x0;
	[sflag:s7] =	ssyncpa.u1 $0x0;
	s6 =	sshll.u32 s6, $0x4  }
0xa: {  	s10 =	smov.u32 s1;
	s3 =	stileid.u32;
	s7 =	sor.u32 $0x1, s6  }
.LBB1_4:
0xb: {  	v5 =	vld [tilespmem:s19+$0xFFFFFFD0];
	[tilespmem:s18+$0x2040 ss:$0x81] =	vst.msk $0xffff, v1  }
0xc: {  	v58 =	vld [tilespmem:s19+$0xFFFFFFE0];
	[tilespmem:s18+$0x2850 ss:$0x81] =	vst.msk $0xffff, v2  }
0xd: {  	s20 =	sshra.s32 s20, $0x2;
	v59 =	vld [tilespmem:s19+$0xFFFFFFF0];
	[tilespmem:s18+$0x3060 ss:$0x81] =	vst.msk $0xffff, v3  }
0xe: {  	v60 =	vld [tilespmem:s19+$0x0];
	[tilespmem:s18+$0x0 ss:$0x81] =	vst.msk $0xffff, v0;
	s17 =	sadd.s32 s20, s17  }
0xf: {  	v61 =	vld [tilespmem:s19+$0x10];
	[tilespmem:s17+$0x3870 ss:$0x81] =	vst.msk $0xffff, v4  }
0x10: {  	v62 =	vld [tilespmem:s19+$0x20];
	s26 =	sshll.u32 s15, $0xA;
	s27 =	sshll.u32 s13, $0x3;
	[tilespmem:s17+$0x810 ss:$0x81] =	vst.msk $0xffff, v5  }
0x11: {  	v63 =	vld [tilespmem:s19+$0xFFFFFFC0];
	s29 =	sshll.u32 s15, $0x7;
	s30 =	sand.u32 $0x78, s13;
	s14 =	sshll.u32 s14, $0x12;
	[tilespmem:s17+$0x1020 ss:$0x81] =	vst.msk $0xffff, v58  }
0x12: {  	s18 =	sand.u32 $0x1FE000, s26;
	s28 =	sand.u32 $0x1FFC00, s27;
	s15 =	sand.u32 $0x380, s29;
	[tilespmem:s17+$0x1830 ss:$0x81] =	vst.msk $0xffff, v59  }
0x13: {  	s31 =	sand.u32 $0x7, s13;
	s18 =	sadd.s32 s28, s18;
	s15 =	sor.u32 s30, s15;
	[tilespmem:s17+$0x2040 ss:$0x81] =	vst.msk $0xffff, v60  }
0x14: {  	s14 =	sadd.s32 s4, s14;
	s18 =	sshrl.u32 s18, $0x3;
	s15 =	sshrl.u32 s15, $0x3;
	[tilespmem:s17+$0x2850 ss:$0x81] =	vst.msk $0xffff, v61  }
0x15: {  	s13 =	sshll.u32 s31, $0x12;
	s18 =	sand.u32 $0x3FF80, s18;
	s14 =	sadd.s32 s15, s14;
	[tilespmem:s17+$0x3060 ss:$0x81] =	vst.msk $0xffff, v62  }
0x16: {  	s13 =	sor.u32 $0x400, s13;
	[tilespmem:s17+$0x0 ss:$0x81] =	vst.msk $0xffff, v63;
	s14 =	sadd.s32 s18, s14  }
0x17: {  	[hbm4b:s14+s13] =	stream.strided.scatter [tilespmem:s16], [sflag:$0x2], $0x4000, s8, s13, $0x20;
	[tilespmem:$0x10100] =	vst v63  }
.LBB1_5:
0x18: {  	s16 =	sadd.s32 $0x80, s9  }
0x19: {  	s13 =	sadd.s32 $0x100, s10;
	s17 =	smov.u32 s10;
	p2 =	sgt.s32 s16, $0x7FF  }
0x1a: {  	s17 =	smov.u32 @p2 s13  }
0x1b: {  	s19 =	smov.u32 s11;
	s13 =	sadd.s32 $0x10, s11;
	p3 =	sgt.s32 s17, $0x3FF  }
0x1c: {  	s19 =	smov.u32 @p3 s13  }
0x1d: {  	s16 =	simm.s32 @p2 $0x0;
	p2 =	sgt.s32 s19, $0xF  }
0x1e: {  	p1 =	slt.u32 s12, $0x2;
	s19 =	smov.u32 @p2 s3;
	p2 =	sne.s32 s12, s7  }
.Ltmp1:
0x1f: {  	s18 =	simm.s32 @!p1 $0x2;
	(pc) =	sbr.rel @!p2 .LBB1_6-.Ltmp1, $4  }
0x20: {  	s15 =	smov.u32 s9;
	s14 =	smov.u32 s11;
	_ =	swait.ge @!p1 [sflag:s18], $0x4000  }
0x21: {  	p0 =	por !p0, !p0;
	[sflag:s18] =	ssyncset.done @!p1 $0x0;
	s9 =	smov.u32 s16  }
0x22: {  	s17 =	smov.u32 @p3 s1;
	s13 =	smov.u32 s10;
	[sflag:s18] =	ssyncadd.s32 @!p1 $0xFFFFC000  }
0x23: {  	s10 =	smov.u32 s17;
	s12 =	sadd.s32 $0x1, s12;
	s11 =	smov.u32 s19  }
.LBB1_1:
0x24: {  	p1 =	sge.u32 s12, s6;
	s31 =	sadd.s32 $0xFFFFFFFF, s12  }
0x25: {  	s16 =	sxor.u32 @!p1 $0xFFFFFFFF, s12;
	s17 =	sand.u32 @!p1 $0x78, s9;
	s18 =	sshll.u32 @!p1 s10, $0xB  }
0x26: {  	s19 =	sshll.u32 @!p1 s10, $0x7;
	s20 =	sshll.u32 @!p1 s9, $0x3;
	s16 =	sshll.u32 @!p1 s16, $0xE  }
0x27: {  	s18 =	sand.u32 @!p1 $0x1FC000, s18;
	s19 =	sand.u32 @!p1 $0x380, s19;
	s16 =	sand.u32 @!p1 $0x4000, s16  }
0x28: {  	s18 =	sadd.s32 @!p1 s18, s20;
	s20 =	sand.u32 @!p1 $0x400, s20;
	s17 =	sor.u32 @!p1 s19, s17  }
0x29: {  	s19 =	sshll.u32 @!p1 s11, $0x12;
	s17 =	sor.u32 @!p1 s20, s17;
	s18 =	sshrl.u32 @!p1 s18, $0x3  }
0x2a: {  	s19 =	sadd.s32 @!p1 s2, s19;
	s20 =	sand.u32 @!p1 $0x7, s9;
	s18 =	sand.u32 @!p1 $0x3FF00, s18  }
0x2b: {  	s17 =	sshrl.u32 @!p1 s17, $0x3;
	s18 =	sadd.s32 @!p1 s18, s19;
	s19 =	sshll.u32 @!p1 s20, $0x12  }
0x2c: {  	s17 =	sadd.s32 @!p1 s17, s18;
	s18 =	sor.u32 @!p1 $0x400, s19;
	s19 =	simm.s32 @!p1 $0x4000  }
0x2d: {  	[tilespmem:s16], [sflag:$0x1] =	stream.strided.gather @!p1 [hbm4b:s17+s18], $0x4000, s19, s18, $0x38;
	[tilespmem:$0x10100] =	vst v63  }
0x2e: {  	p1 =	sge.u32 s31, s6  }
.Ltmp2:
0x2f: {  	_ = 	snop;
	(pc) =	sbr.rel @p1 .LBB1_5-.Ltmp2, $1  }
0x30: {  	_ =	sdelay $0x3  }
0x31: {  	s16 =	simm.s32 $0x1  }
0x32: {  	_ =	swait.ge [sflag:s5], $0x4000;
	s16 =	simm.s32 @!p0 $0x0  }
0x33: {  	[sflag:s5] =	ssyncset.done $0x0;
	s17 =	sshll.u32 s16, $0xE  }
0x34: {  	[sflag:s5] =	ssyncadd.s32 $0xFFFFC000;
	s19 =	sor.u32 $0x40, s17  }
0x35: {  	s16 =	smul.u32 $0x10200, s16;
	v0 =	vld [tilespmem:s19+$0x30]  }
0x36: {  	v3 =	vld [tilespmem:s19+$0xFFFFFFD0]  }
0x37: {  	s16 =	sshrl.u32 s16, $0x2;
	v4 =	vld [tilespmem:s19+$0xFFFFFFE0]  }
0x38: {  	v5 =	vld [tilespmem:s19+$0xFFFFFFF0];
	s17 =	sor.u32 $0x8000, s16  }
0x39: {  	s31 =	sand.u32 $0x1, s12;
	v1 =	vld [tilespmem:s19+$0x0];
	s18 =	sadd.s32 $0x0, s17  }
0x3a: {  	v2 =	vld [tilespmem:s19+$0x10];
	s16 =	smul.u32 $0x10200, s31;
	[tilespmem:s18+$0x3870 ss:$0x81] =	vst.msk $0xffff, v0  }
0x3b: {  	[tilespmem:s18+$0x810 ss:$0x81] =	vst.msk $0xffff, v3;
	v3 =	vld [tilespmem:s19+$0x20]  }
0x3c: {  	s16 =	sshrl.u32 s16, $0x2;
	v0 =	vld [tilespmem:s19+$0xFFFFFFC0];
	[tilespmem:s18+$0x1020 ss:$0x81] =	vst.msk $0xffff, v4;
	s19 =	sadd.s32 $0x80, s19  }
0x3d: {  	s20 =	simm.s32 $0x4;
	s21 =	simm.s32 $0x8;
	s16 =	sor.u32 $0x8000, s16;
	[tilespmem:s18+$0x1830 ss:$0x81] =	vst.msk $0xffff, v5;
	v4 =	vld [tilespmem:s19+$0x30]  }
.LBB1_3:
0x3e: {  	p1 =	sne.s32 s21, $0x1FC;
	v5 =	vld [tilespmem:s19+$0xFFFFFFD0];
	[tilespmem:s18+$0x2040 ss:$0x81] =	vst.msk $0xffff, v1  }
0x3f: {  	v6 =	vld [tilespmem:s19+$0xFFFFFFE0];
	[tilespmem:s18+$0x2850 ss:$0x81] =	vst.msk $0xffff, v2  }
0x40: {  	s22 =	sshra.s32 s20, $0x2;
	s20 =	smov.u32 s21;
	v7 =	vld [tilespmem:s19+$0xFFFFFFF0];
	[tilespmem:s18+$0x3060 ss:$0x81] =	vst.msk $0xffff, v3  }
.Ltmp3:
0x41: {  	v1 =	vld [tilespmem:s19+$0x0];
	[tilespmem:s18+$0x0 ss:$0x81] =	vst.msk $0xffff, v0;
	s18 =	sadd.s32 s22, s17;
	(pc) =	sbr.rel @p1 .LBB1_3-.Ltmp3, $4  }
0x42: {  	v2 =	vld [tilespmem:s19+$0x10];
	[tilespmem:s18+$0x3870 ss:$0x81] =	vst.msk $0xffff, v4  }
0x43: {  	[tilespmem:s18+$0x810 ss:$0x81] =	vst.msk $0xffff, v5;
	v3 =	vld [tilespmem:s19+$0x20]  }
0x44: {  	v0 =	vld [tilespmem:s19+$0xFFFFFFC0];
	[tilespmem:s18+$0x1020 ss:$0x81] =	vst.msk $0xffff, v6;
	s19 =	sadd.s32 $0x80, s19  }
0x45: {  	s21 =	sadd.s32 $0x4, s21;
	v4 =	vld [tilespmem:s19+$0x30];
	[tilespmem:s18+$0x1830 ss:$0x81] =	vst.msk $0xffff, v7  }
.Ltmp4:
0x46: {  	_ = 	snop;
	(pc) =	sbr.rel .LBB1_4-.Ltmp4, $1  }
0x47: {  	_ =	sdelay $0x3  }
.LBB1_6:
0x48: {  	_ =	sfence.sel $0x180000  }
0x49: {  	s1 =	simm.s32 $0x1;
	[bflag:$0x0] =	sbarrier.arrive $0xFFFF  }
0x4a: {  	s31 =	simm.s32 $0x2;
	[sflag:s1] =	ssyncpa.u1 $0x1  }
0x4b: {  	[sflag:s31] =	ssyncpa.u1 $0x1  }
0x4c: {  	p0 =	sne.s32 s3, $0x0;
	_ =	strace $0x9000004D  }
0x4d: {  	s0 =	sadd.s32 @!p0 $0x100000, s0;
	[bflag:$0x2] =	sbarrier.arrive $0xFFFF  }
0x4e: {  	[sflag:s0] =	ssyncadd.tile.s32 @!p0 $0x1;
	_ =	shalt  }
.Lfunc_end1:
_tile_overlayer_lowered:
.L_overlay_start_2:
0x4f: {  	(tag) =	ssettag $0x2  }
0x50: {  	s0 =	rddreg [dreg:$0x0];
	s2 =	stileid.u32  }
0x51: {  	s1 =	rddreg [dreg:$0x1];
	p0 =	sne.s32 s2, $0x0  }
0x52: {  	s3 =	rddreg [dreg:$0x2];
	[bflag:$0x3] =	sbarrier.arrive $0xFFFF;
	s2 =	simm.s32 @!p0 $0x1C01  }
0x53: {  	[timem:s3], [sflag:s2] =	dma.local @!p0 [hbm:s0], s1  }
0x54: {  	s0 =	simm.s32 @!p0 $0x1  }
0x55: {  	_ =	swait.ge @!p0 [sflag:s0], s1  }
0x56: {  	s1 =	ssub.s32 @!p0 $0x0, s1;
	[sflag:s0] =	ssyncset.done @!p0 $0x0  }
0x57: {  	[sflag:s0] =	ssyncadd.s32 @!p0 s1  }
0x58: {  	[bflag:$0x3] =	sbarrier.arrive $0xFFFF  }
0x59: {  	_ =	shalt  }

</sc_bundles>
